<compile_context>
chip_gen: v7x
topology: tpu7x:2x2x1
jax: 0.10.2.dev20260603
libtpu: 0.0.44.dev20260713+nightly
codegen_flags: <defaults>
</compile_context>

<pallas_src>
import functools

import jax
import jax.numpy as jnp
from jax import lax
from jax.experimental import pallas as pl
from jax.experimental.pallas import tpu as pltpu
from jax.experimental.pallas import tpu_sc as plsc

B, H, Q, D = 8, 8, 16, 128
MAX_LEN = 2048
G = B * H

_NC, _NS = 2, 16
_NW = _NC * _NS
_GROUPS_PER_W = G // _NW

_CHUNK = 256
_CHUNKS_PER_G = MAX_LEN // _CHUNK

_SC_MESH = plsc.VectorSubcoreMesh(
    core_axis_name="c", subcore_axis_name="s",
    num_cores=_NC, num_subcores=_NS)
_SC_PARAMS = pltpu.CompilerParams(needs_layout_passes=False)


def _worker_id():
    return lax.axis_index("s") * _NC + lax.axis_index("c")


def _scatter_ids(pos_v, g):
    q = lax.iota(jnp.int32, Q)
    p = pos_v[...]
    p_next = plsc.load_gather(pos_v, [jnp.minimum(q + 1, Q - 1)])
    is_last = (p != p_next) | (q == Q - 1)
    cand = jnp.where(is_last, -q, -9999)
    winner = -lax.rev(plsc.cummax(lax.rev(cand, (0,))), (0,))
    return g * Q + winner, g * MAX_LEN + p


_NB = 3
_W_CHUNKS = _GROUPS_PER_W * _CHUNKS_PER_G


def _sc_k_body(key2d, pos_hbm, kc2d, ko2d,
               pos_v0, pos_v1, rows0, rows1, buf, sem_in, sem_out, sem_sc):
    wid = _worker_id()
    g0 = wid * _GROUPS_PER_W
    g1 = g0 + 1
    pltpu.sync_copy(pos_hbm.at[pl.ds((g0 // H) * Q, Q)], pos_v0)
    pltpu.sync_copy(pos_hbm.at[pl.ds((g1 // H) * Q, Q)], pos_v1)
    src0, dst0 = _scatter_ids(pos_v0, g0)
    src1, dst1 = _scatter_ids(pos_v1, g1)
    ga0 = pltpu.async_copy(key2d.at[src0], rows0, sem_sc)
    ga1 = pltpu.async_copy(key2d.at[src1], rows1, sem_sc)

    base = g0 * MAX_LEN

    def cin(c, b):
        return pltpu.make_async_copy(
            kc2d.at[pl.ds(base + c * _CHUNK, _CHUNK)], buf.at[b], sem_in)

    def cout(c, b):
        return pltpu.make_async_copy(
            buf.at[b], ko2d.at[pl.ds(base + c * _CHUNK, _CHUNK)], sem_out)

    for b in range(_NB):
        cin(b, b).start()

    @pl.loop(0, _W_CHUNKS)
    def _(c):
        b = lax.rem(c, _NB)
        cin(c, b).wait()
        cout(c, b).start()

        @pl.when((c >= 1) & (c + _NB - 1 < _W_CHUNKS))
        def _():
            bp = lax.rem(c - 1, _NB)
            cout(c - 1, bp).wait()
            cin(c + _NB - 1, bp).start()

    for c in range(_W_CHUNKS - _NB, _W_CHUNKS):
        cout(c, c % _NB).wait()

    ga0.wait()
    ga1.wait()
    sc0 = pltpu.async_copy(rows0, ko2d.at[dst0], sem_sc)
    sc1 = pltpu.async_copy(rows1, ko2d.at[dst1], sem_sc)
    sc0.wait()
    sc1.wait()


_sc_copy_scatter_k = functools.partial(
    pl.kernel,
    out_type=jax.ShapeDtypeStruct((G * MAX_LEN, D), jnp.float32),
    mesh=_SC_MESH,
    compiler_params=_SC_PARAMS,
    scratch_types=[
        pltpu.VMEM((Q,), jnp.int32),
        pltpu.VMEM((Q,), jnp.int32),
        pltpu.VMEM((Q, D), jnp.float32),
        pltpu.VMEM((Q, D), jnp.float32),
        pltpu.VMEM((_NB, _CHUNK, D), jnp.float32),
        pltpu.SemaphoreType.DMA,
        pltpu.SemaphoreType.DMA,
        pltpu.SemaphoreType.DMA,
    ],
)(_sc_k_body)


_HB = 4


def _tc_copy_scatter_body(pos_ref, val_ref, vc_ref, vo_ref):
    b = pl.program_id(0)
    vo_ref[...] = vc_ref[...]
    for q in range(Q):
        p = pos_ref[b, q]
        for hh in range(_HB):
            vo_ref[0, hh, pl.ds(p, 1), :] = val_ref[0, hh, pl.ds(q, 1), :]


def _tc_copy_scatter_v(value_states, pos2d, v_cache):
    cache_spec = pl.BlockSpec((1, _HB, MAX_LEN, D), lambda b, h, *_: (b, h, 0, 0))
    state_spec = pl.BlockSpec((1, _HB, Q, D), lambda b, h, *_: (b, h, 0, 0))
    return pl.pallas_call(
        _tc_copy_scatter_body,
        grid_spec=pltpu.PrefetchScalarGridSpec(
            num_scalar_prefetch=1,
            grid=(B, H // _HB),
            in_specs=[state_spec, cache_spec],
            out_specs=cache_spec,
        ),
        out_shape=jax.ShapeDtypeStruct((B, H, MAX_LEN, D), jnp.float32),
        compiler_params=pltpu.CompilerParams(
            dimension_semantics=("arbitrary", "arbitrary"),
        ),
    )(pos2d, value_states, v_cache)


def kernel(key_states, value_states, position_ids, k_cache, v_cache, layer_idx, seq_len):
    del layer_idx, seq_len
    k2d = k_cache.reshape(G * MAX_LEN, D)
    key2d = key_states.reshape(G * Q, D)
    pos2d = position_ids.astype(jnp.int32)
    pos = pos2d.reshape(B * Q)

    k_out = _sc_copy_scatter_k(key2d, pos, k2d)
    v_fin = _tc_copy_scatter_v(value_states, pos2d, v_cache)
    k_fin = k_out.reshape(B, H, MAX_LEN, D)
    return (k_fin, v_fin)

# --- scband reference (transcript-rebuilt; emitter-appended) ---
"""Pipeline reference for scband-neuron-static-cache-37383395344954 (READ-ONLY COPY).

The authoritative reference and input builder live on the scoring server;
editing this copy changes nothing except your own understanding.
"""

import jax, jax.numpy as jnp
import numpy as np

B, H, Q, D = 8, 8, 16, 128
MAX_LEN = 2048
SEQ_LEN = 1024


def setup_inputs(seed: int = 0) -> dict:
    key = jax.random.key(seed)
    k1, k2, k3, k4, k5 = jax.random.split(key, 5)
    return {
        "key_states": jax.random.normal(k1, (B, H, Q, D), dtype=jnp.float32),
        "value_states": jax.random.normal(k2, (B, H, Q, D), dtype=jnp.float32),
        "position_ids": jnp.sort(jax.random.randint(k3, (B, Q), 0, SEQ_LEN), axis=-1),
        "k_cache": jax.random.normal(k4, (B, H, MAX_LEN, D), dtype=jnp.float32) * 0.02,
        "v_cache": jax.random.normal(k5, (B, H, MAX_LEN, D), dtype=jnp.float32) * 0.02,
        "layer_idx": 0,
        "seq_len": SEQ_LEN,
    }


def _scatter_dim2(cache_sl, pos, src):
    # torch.scatter(input=cache_sl, dim=2, index=pos.view(-1,1,Q,1).expand_as(src), src=src)
    Bb, Hh, Qq, Dd = src.shape
    b = jnp.broadcast_to(jnp.arange(Bb)[:, None, None], (Bb, Hh, Qq))
    h = jnp.broadcast_to(jnp.arange(Hh)[None, :, None], (Bb, Hh, Qq))
    p = jnp.broadcast_to(pos[:, None, :], (Bb, Hh, Qq))
    return cache_sl.at[b, h, p].set(src)


def reference(key_states, value_states, position_ids, k_cache, v_cache, layer_idx, seq_len):
    # NeuronStaticCache.append for layer `layer_idx` (single layer materialized)
    # get_sliced_kv_cache: slice_lhs(cache, seq_len, dim=2)
    sliced_k = jax.lax.dynamic_slice_in_dim(k_cache, seq_len - SEQ_LEN, SEQ_LEN, axis=2)
    sliced_v = jax.lax.dynamic_slice_in_dim(v_cache, seq_len - SEQ_LEN, SEQ_LEN, axis=2)
    # scatter key/value states into the sliced cacheline along dim=2
    k_scat = _scatter_dim2(sliced_k, position_ids, key_states)
    v_scat = _scatter_dim2(sliced_v, position_ids, value_states)
    # _gather_slice_into_kv_cacheline: cat([bucket, cache[:, :, max_idx-(max_idx-seq_len):max_idx]], dim=2)
    k_tail = jax.lax.dynamic_slice_in_dim(k_cache, seq_len, MAX_LEN - SEQ_LEN, axis=2)
    v_tail = jax.lax.dynamic_slice_in_dim(v_cache, seq_len, MAX_LEN - SEQ_LEN, axis=2)
    k_out = jnp.concatenate([k_scat, k_tail], axis=2)
    v_out = jnp.concatenate([v_scat, v_tail], axis=2)
    return (k_out, v_out)

if __name__ == "__main__":
    import jax
    _d = setup_inputs()
    print(jax.jit(kernel)(*tuple(_d.values())))

</pallas_src>

<mosaic_0001>
#map = affine_map<(d0, d1) -> (0, 0)>
#map1 = affine_map<(d0, d1) -> (0)>
module attributes {stable_mosaic.version = 14 : i64} {
  func.func @_sc_k_body(%arg0: i32, %arg1: i32, %arg2: memref<1024x128xf32, #tpu.memory_space<hbm>>, %arg3: memref<128xi32, #tpu.memory_space<hbm>>, %arg4: memref<131072x128xf32, #tpu.memory_space<hbm>>, %arg5: memref<131072x128xf32, #tpu.memory_space<hbm>>, %arg6: memref<16xi32, #tpu.memory_space<vmem>>, %arg7: memref<16xi32, #tpu.memory_space<vmem>>, %arg8: memref<16x128xf32, #tpu.memory_space<vmem>>, %arg9: memref<16x128xf32, #tpu.memory_space<vmem>>, %arg10: memref<3x256x128xf32, #tpu.memory_space<vmem>>, %arg11: memref<!tpu.dma_semaphore, #tpu.memory_space<semaphore_mem>>, %arg12: memref<!tpu.dma_semaphore, #tpu.memory_space<semaphore_mem>>, %arg13: memref<!tpu.dma_semaphore, #tpu.memory_space<semaphore_mem>>) attributes {dimension_semantics = [#tpu.dimension_semantics<core_parallel>, #tpu.dimension_semantics<subcore_parallel>], iteration_bounds = array<i64: 2, 16>, scalar_prefetch = 0 : i64, scratch_operands = 8 : i64, tpu.core_type = #tpu.core_type<sc_vector_subcore>, window_params = [{transform_indices = #map}, {transform_indices = #map1}, {transform_indices = #map}, {transform_indices = #map}]} {
    %mul3A = arith.constant 2 : i32
    %mul3A_0 = arith.muli %arg1, %mul3A : i32
    %add3A = arith.addi %mul3A_0, %arg0 : i32
    %mul3A_1 = arith.constant 2 : i32
    %mul3A_2 = arith.muli %add3A, %mul3A_1 : i32
    %add3A_3 = arith.constant 1 : i32
    %add3A_4 = arith.addi %mul3A_2, %add3A_3 : i32
    %jit3A = arith.constant 8 : i32
    %div3A = arith.divsi %mul3A_2, %jit3A : i32
    %sign3A = arith.constant 0 : i32
    %sign3A_5 = arith.cmpi sgt, %mul3A_2, %sign3A : i32
    %sign3A_6 = arith.extui %sign3A_5 : i1 to i32
    %sign3A_7 = arith.constant 0 : i32
    %sign3A_8 = arith.cmpi slt, %mul3A_2, %sign3A_7 : i32
    %sign3A_9 = arith.extui %sign3A_8 : i1 to i32
    %sign3A_10 = arith.subi %sign3A_6, %sign3A_9 : i32
    %sign3A_11 = arith.constant 0 : i32
    %sign3A_12 = arith.cmpi sgt, %jit3A, %sign3A_11 : i32
    %sign3A_13 = arith.extui %sign3A_12 : i1 to i32
    %sign3A_14 = arith.constant 0 : i32
    %sign3A_15 = arith.cmpi slt, %jit3A, %sign3A_14 : i32
    %sign3A_16 = arith.extui %sign3A_15 : i1 to i32
    %sign3A_17 = arith.subi %sign3A_13, %sign3A_16 : i32
    %ne3A = arith.cmpi ne, %sign3A_10, %sign3A_17 : i32
    %rem3A = arith.remsi %mul3A_2, %jit3A : i32
    %ne3A_18 = arith.constant 0 : i32
    %ne3A_19 = arith.cmpi ne, %rem3A, %ne3A_18 : i32
    %and3A = arith.andi %ne3A, %ne3A_19 : i1
    %sub3A = arith.constant 1 : i32
    %sub3A_20 = arith.subi %div3A, %sub3A : i32
    %select_n3A = arith.select %and3A, %sub3A_20, %div3A : i32
    %mul3A_21 = arith.constant 16 : i32
    %mul3A_22 = arith.muli %select_n3A, %mul3A_21 : i32
    "tpu.region"() ({
      %run_scoped3A = tpu.sem_alloc : memref<!tpu.dma_semaphore, #tpu.memory_space<semaphore_mem>>
      %dma_start3A_255 = tpu.memref_slice %arg3[%mul3A_22] : memref<128xi32, #tpu.memory_space<hbm>> -> memref<16xi32, #tpu.memory_space<hbm>>
      %dma_start3A_256 = tpu.memref_slice %arg3[%mul3A_22] : memref<128xi32, #tpu.memory_space<hbm>> -> memref<16xi32, #tpu.memory_space<hbm>>
      tpu.enqueue_dma source(%dma_start3A_256 : memref<16xi32, #tpu.memory_space<hbm>>) target(%arg6 : memref<16xi32, #tpu.memory_space<vmem>>) target_semaphore(%run_scoped3A : memref<!tpu.dma_semaphore, #tpu.memory_space<semaphore_mem>>)
      %dma_wait3A_257 = tpu.memref_slice %arg3[%mul3A_22] : memref<128xi32, #tpu.memory_space<hbm>> -> memref<16xi32, #tpu.memory_space<hbm>>
      %dma_wait3A_258 = tpu.memref_slice %arg3[%mul3A_22] : memref<128xi32, #tpu.memory_space<hbm>> -> memref<16xi32, #tpu.memory_space<hbm>>
      tpu.wait_dma2 semaphore(%run_scoped3A : memref<!tpu.dma_semaphore, #tpu.memory_space<semaphore_mem>>) src(%dma_wait3A_258 : memref<16xi32, #tpu.memory_space<hbm>>) dst(%arg6 : memref<16xi32, #tpu.memory_space<vmem>>)
      tpu.yield
    }) : () -> ()
    %jit3A_23 = arith.constant 8 : i32
    %div3A_24 = arith.divsi %add3A_4, %jit3A_23 : i32
    %sign3A_25 = arith.constant 0 : i32
    %sign3A_26 = arith.cmpi sgt, %add3A_4, %sign3A_25 : i32
    %sign3A_27 = arith.extui %sign3A_26 : i1 to i32
    %sign3A_28 = arith.constant 0 : i32
    %sign3A_29 = arith.cmpi slt, %add3A_4, %sign3A_28 : i32
    %sign3A_30 = arith.extui %sign3A_29 : i1 to i32
    %sign3A_31 = arith.subi %sign3A_27, %sign3A_30 : i32
    %sign3A_32 = arith.constant 0 : i32
    %sign3A_33 = arith.cmpi sgt, %jit3A_23, %sign3A_32 : i32
    %sign3A_34 = arith.extui %sign3A_33 : i1 to i32
    %sign3A_35 = arith.constant 0 : i32
    %sign3A_36 = arith.cmpi slt, %jit3A_23, %sign3A_35 : i32
    %sign3A_37 = arith.extui %sign3A_36 : i1 to i32
    %sign3A_38 = arith.subi %sign3A_34, %sign3A_37 : i32
    %ne3A_39 = arith.cmpi ne, %sign3A_31, %sign3A_38 : i32
    %rem3A_40 = arith.remsi %add3A_4, %jit3A_23 : i32
    %ne3A_41 = arith.constant 0 : i32
    %ne3A_42 = arith.cmpi ne, %rem3A_40, %ne3A_41 : i32
    %and3A_43 = arith.andi %ne3A_39, %ne3A_42 : i1
    %sub3A_44 = arith.constant 1 : i32
    %sub3A_45 = arith.subi %div3A_24, %sub3A_44 : i32
    %select_n3A_46 = arith.select %and3A_43, %sub3A_45, %div3A_24 : i32
    %mul3A_47 = arith.constant 16 : i32
    %mul3A_48 = arith.muli %select_n3A_46, %mul3A_47 : i32
    "tpu.region"() ({
      %run_scoped3A = tpu.sem_alloc : memref<!tpu.dma_semaphore, #tpu.memory_space<semaphore_mem>>
      %dma_start3A_255 = tpu.memref_slice %arg3[%mul3A_48] : memref<128xi32, #tpu.memory_space<hbm>> -> memref<16xi32, #tpu.memory_space<hbm>>
      %dma_start3A_256 = tpu.memref_slice %arg3[%mul3A_48] : memref<128xi32, #tpu.memory_space<hbm>> -> memref<16xi32, #tpu.memory_space<hbm>>
      tpu.enqueue_dma source(%dma_start3A_256 : memref<16xi32, #tpu.memory_space<hbm>>) target(%arg7 : memref<16xi32, #tpu.memory_space<vmem>>) target_semaphore(%run_scoped3A : memref<!tpu.dma_semaphore, #tpu.memory_space<semaphore_mem>>)
      %dma_wait3A_257 = tpu.memref_slice %arg3[%mul3A_48] : memref<128xi32, #tpu.memory_space<hbm>> -> memref<16xi32, #tpu.memory_space<hbm>>
      %dma_wait3A_258 = tpu.memref_slice %arg3[%mul3A_48] : memref<128xi32, #tpu.memory_space<hbm>> -> memref<16xi32, #tpu.memory_space<hbm>>
      tpu.wait_dma2 semaphore(%run_scoped3A : memref<!tpu.dma_semaphore, #tpu.memory_space<semaphore_mem>>) src(%dma_wait3A_258 : memref<16xi32, #tpu.memory_space<hbm>>) dst(%arg7 : memref<16xi32, #tpu.memory_space<vmem>>)
      tpu.yield
    }) : () -> ()
    %iota3A = tpu.iota {dimensions = array<i32: 0>} : vector<16xi32>
    %get3A = arith.constant 0 : index
    %get3A_49 = tpu.vector_load %arg6[%get3A] {strides = array<i32>} : memref<16xi32, #tpu.memory_space<vmem>>, vector<16xi32>,
    %add3A_50 = arith.constant 1 : i32
    %add3A_51 = vector.broadcast %add3A_50 : i32 to vector<16xi32>
    %add3A_52 = arith.addi %iota3A, %add3A_51 : vector<16xi32>
    %min3A = arith.constant 15 : i32
    %min3A_53 = vector.broadcast %min3A : i32 to vector<16xi32>
    %min3A_54 = arith.minsi %add3A_52, %min3A_53 : vector<16xi32>
    %gather3A = tpu.vector_load_idx %arg6[%min3A_54] : memref<16xi32, #tpu.memory_space<vmem>>[vector<16xi32>], vector<16xi32>,
    %ne3A_55 = arith.cmpi ne, %get3A_49, %gather3A : vector<16xi32>
    %eq3A = arith.constant 15 : i32
    %eq3A_56 = vector.broadcast %eq3A : i32 to vector<16xi32>
    %eq3A_57 = arith.cmpi eq, %iota3A, %eq3A_56 : vector<16xi32>
    %or3A = arith.ori %ne3A_55, %eq3A_57 : vector<16xi1>
    %neg3A = arith.constant 0 : i32
    %neg3A_58 = vector.broadcast %neg3A : i32 to vector<16xi32>
    %neg3A_59 = arith.subi %neg3A_58, %iota3A : vector<16xi32>
    %jit3A_60 = arith.constant -9999 : i32
    %broadcast_in_dim3A = vector.broadcast %jit3A_60 : i32 to vector<16xi32>
    %select_n3A_61 = arith.select %or3A, %neg3A_59, %broadcast_in_dim3A : vector<16xi1>, vector<16xi32>
    %rev3A = arith.constant 15 : i32
    %rev3A_62 = vector.broadcast %rev3A : i32 to vector<16xi32>
    %rev3A_63 = tpu.iota {dimensions = array<i32: 0>} : vector<16xi32>
    %rev3A_64 = arith.subi %rev3A_62, %rev3A_63 : vector<16xi32>
    %rev3A_65 = tpu.dynamic_gather %select_n3A_61[%rev3A_64] in [0] : vector<16xi32>, vector<16xi32> -> vector<16xi32>
    %broadcast_in_dim3A_66 = arith.constant true
    %broadcast_in_dim3A_67 = vector.broadcast %broadcast_in_dim3A_66 : i1 to vector<16xi1>
    %masked_cummax3A = arith.constant -2147483648 : i32
    %masked_cummax3A_68 = vector.broadcast %masked_cummax3A : i32 to vector<16xi32>
    %masked_cummax3A_69 = arith.xori %rev3A_65, %masked_cummax3A_68 : vector<16xi32>
    %masked_cummax3A_70 = tpu.scan <max>, %masked_cummax3A_69 masked %broadcast_in_dim3A_67 : vector<16xi32>, vector<16xi1> -> vector<16xi32>
    %masked_cummax3A_71 = arith.xori %masked_cummax3A_70, %masked_cummax3A_68 : vector<16xi32>
    %rev3A_72 = arith.constant 15 : i32
    %rev3A_73 = vector.broadcast %rev3A_72 : i32 to vector<16xi32>
    %rev3A_74 = tpu.iota {dimensions = array<i32: 0>} : vector<16xi32>
    %rev3A_75 = arith.subi %rev3A_73, %rev3A_74 : vector<16xi32>
    %rev3A_76 = tpu.dynamic_gather %masked_cummax3A_71[%rev3A_75] in [0] : vector<16xi32>, vector<16xi32> -> vector<16xi32>
    %neg3A_77 = arith.constant 0 : i32
    %neg3A_78 = vector.broadcast %neg3A_77 : i32 to vector<16xi32>
    %neg3A_79 = arith.subi %neg3A_78, %rev3A_76 : vector<16xi32>
    %mul3A_80 = arith.constant 16 : i32
    %mul3A_81 = arith.muli %mul3A_2, %mul3A_80 : i32
    %add3A_82 = vector.broadcast %mul3A_81 : i32 to vector<16xi32>
    %add3A_83 = arith.addi %add3A_82, %neg3A_79 : vector<16xi32>
    %mul3A_84 = arith.constant 2048 : i32
    %mul3A_85 = arith.muli %mul3A_2, %mul3A_84 : i32
    %add3A_86 = vector.broadcast %mul3A_85 : i32 to vector<16xi32>
    %add3A_87 = arith.addi %add3A_86, %get3A_49 : vector<16xi32>
    %iota3A_88 = tpu.iota {dimensions = array<i32: 0>} : vector<16xi32>
    %get3A_89 = arith.constant 0 : index
    %get3A_90 = tpu.vector_load %arg7[%get3A_89] {strides = array<i32>} : memref<16xi32, #tpu.memory_space<vmem>>, vector<16xi32>,
    %add3A_91 = arith.constant 1 : i32
    %add3A_92 = vector.broadcast %add3A_91 : i32 to vector<16xi32>
    %add3A_93 = arith.addi %iota3A_88, %add3A_92 : vector<16xi32>
    %min3A_94 = arith.constant 15 : i32
    %min3A_95 = vector.broadcast %min3A_94 : i32 to vector<16xi32>
    %min3A_96 = arith.minsi %add3A_93, %min3A_95 : vector<16xi32>
    %gather3A_97 = tpu.vector_load_idx %arg7[%min3A_96] : memref<16xi32, #tpu.memory_space<vmem>>[vector<16xi32>], vector<16xi32>,
    %ne3A_98 = arith.cmpi ne, %get3A_90, %gather3A_97 : vector<16xi32>
    %eq3A_99 = arith.constant 15 : i32
    %eq3A_100 = vector.broadcast %eq3A_99 : i32 to vector<16xi32>
    %eq3A_101 = arith.cmpi eq, %iota3A_88, %eq3A_100 : vector<16xi32>
    %or3A_102 = arith.ori %ne3A_98, %eq3A_101 : vector<16xi1>
    %neg3A_103 = arith.constant 0 : i32
    %neg3A_104 = vector.broadcast %neg3A_103 : i32 to vector<16xi32>
    %neg3A_105 = arith.subi %neg3A_104, %iota3A_88 : vector<16xi32>
    %jit3A_106 = arith.constant -9999 : i32
    %broadcast_in_dim3A_107 = vector.broadcast %jit3A_106 : i32 to vector<16xi32>
    %select_n3A_108 = arith.select %or3A_102, %neg3A_105, %broadcast_in_dim3A_107 : vector<16xi1>, vector<16xi32>
    %rev3A_109 = arith.constant 15 : i32
    %rev3A_110 = vector.broadcast %rev3A_109 : i32 to vector<16xi32>
    %rev3A_111 = tpu.iota {dimensions = array<i32: 0>} : vector<16xi32>
    %rev3A_112 = arith.subi %rev3A_110, %rev3A_111 : vector<16xi32>
    %rev3A_113 = tpu.dynamic_gather %select_n3A_108[%rev3A_112] in [0] : vector<16xi32>, vector<16xi32> -> vector<16xi32>
    %broadcast_in_dim3A_114 = arith.constant true
    %broadcast_in_dim3A_115 = vector.broadcast %broadcast_in_dim3A_114 : i1 to vector<16xi1>
    %masked_cummax3A_116 = arith.constant -2147483648 : i32
    %masked_cummax3A_117 = vector.broadcast %masked_cummax3A_116 : i32 to vector<16xi32>
    %masked_cummax3A_118 = arith.xori %rev3A_113, %masked_cummax3A_117 : vector<16xi32>
    %masked_cummax3A_119 = tpu.scan <max>, %masked_cummax3A_118 masked %broadcast_in_dim3A_115 : vector<16xi32>, vector<16xi1> -> vector<16xi32>
    %masked_cummax3A_120 = arith.xori %masked_cummax3A_119, %masked_cummax3A_117 : vector<16xi32>
    %rev3A_121 = arith.constant 15 : i32
    %rev3A_122 = vector.broadcast %rev3A_121 : i32 to vector<16xi32>
    %rev3A_123 = tpu.iota {dimensions = array<i32: 0>} : vector<16xi32>
    %rev3A_124 = arith.subi %rev3A_122, %rev3A_123 : vector<16xi32>
    %rev3A_125 = tpu.dynamic_gather %masked_cummax3A_120[%rev3A_124] in [0] : vector<16xi32>, vector<16xi32> -> vector<16xi32>
    %neg3A_126 = arith.constant 0 : i32
    %neg3A_127 = vector.broadcast %neg3A_126 : i32 to vector<16xi32>
    %neg3A_128 = arith.subi %neg3A_127, %rev3A_125 : vector<16xi32>
    %mul3A_129 = arith.constant 16 : i32
    %mul3A_130 = arith.muli %add3A_4, %mul3A_129 : i32
    %add3A_131 = vector.broadcast %mul3A_130 : i32 to vector<16xi32>
    %add3A_132 = arith.addi %add3A_131, %neg3A_128 : vector<16xi32>
    %mul3A_133 = arith.constant 2048 : i32
    %mul3A_134 = arith.muli %add3A_4, %mul3A_133 : i32
    %add3A_135 = vector.broadcast %mul3A_134 : i32 to vector<16xi32>
    %add3A_136 = arith.addi %add3A_135, %get3A_90 : vector<16xi32>
    %dma_start3A = arith.constant 0 : i32
    %dma_start3A_137 = arith.constant 0 : i32
    %dma_start3A_138 = tpu.memref_slice %arg2[%dma_start3A, %dma_start3A_137] : memref<1024x128xf32, #tpu.memory_space<hbm>> -> memref<1024x128xf32, #tpu.memory_space<hbm>>
    tpu.enqueue_indirect_dma source(%dma_start3A_138 : memref<1024x128xf32, #tpu.memory_space<hbm>>) target(%arg8 : memref<16x128xf32, #tpu.memory_space<vmem>>) offsets(%add3A_83 : vector<16xi32>) semaphore(%arg13 : memref<!tpu.dma_semaphore, #tpu.memory_space<semaphore_mem>>)
    %dma_start3A_139 = arith.constant 0 : i32
    %dma_start3A_140 = arith.constant 0 : i32
    %dma_start3A_141 = tpu.memref_slice %arg2[%dma_start3A_139, %dma_start3A_140] : memref<1024x128xf32, #tpu.memory_space<hbm>> -> memref<1024x128xf32, #tpu.memory_space<hbm>>
    tpu.enqueue_indirect_dma source(%dma_start3A_141 : memref<1024x128xf32, #tpu.memory_space<hbm>>) target(%arg9 : memref<16x128xf32, #tpu.memory_space<vmem>>) offsets(%add3A_132 : vector<16xi32>) semaphore(%arg13 : memref<!tpu.dma_semaphore, #tpu.memory_space<semaphore_mem>>)
    %mul3A_142 = arith.constant 2048 : i32
    %mul3A_143 = arith.muli %mul3A_2, %mul3A_142 : i32
    %add3A_144 = arith.constant 0 : i32
    %add3A_145 = arith.addi %mul3A_143, %add3A_144 : i32
    %dma_start3A_146 = arith.constant 0 : i32
    %dma_start3A_147 = arith.constant 0 : i32
    %dma_start3A_148 = arith.constant 0 : i32
    %dma_start3A_149 = tpu.memref_slice %arg10[%dma_start3A_146, %dma_start3A_147, %dma_start3A_148] : memref<3x256x128xf32, #tpu.memory_space<vmem>> -> memref<1x256x128xf32, #tpu.memory_space<vmem>>
    %dma_start3A_150 = tpu.memref_squeeze %dma_start3A_149 : memref<1x256x128xf32, #tpu.memory_space<vmem>> -> memref<256x128xf32, #tpu.memory_space<vmem>>
    %dma_start3A_151 = arith.constant 0 : i32
    %dma_start3A_152 = tpu.memref_slice %arg4[%add3A_145, %dma_start3A_151] : memref<131072x128xf32, #tpu.memory_space<hbm>> -> memref<256x128xf32, #tpu.memory_space<hbm>>
    %dma_start3A_153 = arith.constant 0 : i32
    %dma_start3A_154 = arith.constant 0 : i32
    %dma_start3A_155 = tpu.memref_slice %arg10[%dma_start3A_146, %dma_start3A_153, %dma_start3A_154] : memref<3x256x128xf32, #tpu.memory_space<vmem>> -> memref<1x256x128xf32, #tpu.memory_space<vmem>>
    %dma_start3A_156 = tpu.memref_squeeze %dma_start3A_155 : memref<1x256x128xf32, #tpu.memory_space<vmem>> -> memref<256x128xf32, #tpu.memory_space<vmem>>
    %dma_start3A_157 = arith.constant 0 : i32
    %dma_start3A_158 = tpu.memref_slice %arg4[%add3A_145, %dma_start3A_157] : memref<131072x128xf32, #tpu.memory_space<hbm>> -> memref<256x128xf32, #tpu.memory_space<hbm>>
    tpu.enqueue_dma source(%dma_start3A_158 : memref<256x128xf32, #tpu.memory_space<hbm>>) target(%dma_start3A_156 : memref<256x128xf32, #tpu.memory_space<vmem>>) target_semaphore(%arg11 : memref<!tpu.dma_semaphore, #tpu.memory_space<semaphore_mem>>)
    %add3A_159 = arith.constant 256 : i32
    %add3A_160 = arith.addi %mul3A_143, %add3A_159 : i32
    %dma_start3A_161 = arith.constant 1 : i32
    %dma_start3A_162 = arith.constant 0 : i32
    %dma_start3A_163 = arith.constant 0 : i32
    %dma_start3A_164 = tpu.memref_slice %arg10[%dma_start3A_161, %dma_start3A_162, %dma_start3A_163] : memref<3x256x128xf32, #tpu.memory_space<vmem>> -> memref<1x256x128xf32, #tpu.memory_space<vmem>>
    %dma_start3A_165 = tpu.memref_squeeze %dma_start3A_164 : memref<1x256x128xf32, #tpu.memory_space<vmem>> -> memref<256x128xf32, #tpu.memory_space<vmem>>
    %dma_start3A_166 = arith.constant 0 : i32
    %dma_start3A_167 = tpu.memref_slice %arg4[%add3A_160, %dma_start3A_166] : memref<131072x128xf32, #tpu.memory_space<hbm>> -> memref<256x128xf32, #tpu.memory_space<hbm>>
    %dma_start3A_168 = arith.constant 0 : i32
    %dma_start3A_169 = arith.constant 0 : i32
    %dma_start3A_170 = tpu.memref_slice %arg10[%dma_start3A_161, %dma_start3A_168, %dma_start3A_169] : memref<3x256x128xf32, #tpu.memory_space<vmem>> -> memref<1x256x128xf32, #tpu.memory_space<vmem>>
    %dma_start3A_171 = tpu.memref_squeeze %dma_start3A_170 : memref<1x256x128xf32, #tpu.memory_space<vmem>> -> memref<256x128xf32, #tpu.memory_space<vmem>>
    %dma_start3A_172 = arith.constant 0 : i32
    %dma_start3A_173 = tpu.memref_slice %arg4[%add3A_160, %dma_start3A_172] : memref<131072x128xf32, #tpu.memory_space<hbm>> -> memref<256x128xf32, #tpu.memory_space<hbm>>
    tpu.enqueue_dma source(%dma_start3A_173 : memref<256x128xf32, #tpu.memory_space<hbm>>) target(%dma_start3A_171 : memref<256x128xf32, #tpu.memory_space<vmem>>) target_semaphore(%arg11 : memref<!tpu.dma_semaphore, #tpu.memory_space<semaphore_mem>>)
    %add3A_174 = arith.constant 512 : i32
    %add3A_175 = arith.addi %mul3A_143, %add3A_174 : i32
    %dma_start3A_176 = arith.constant 2 : i32
    %dma_start3A_177 = arith.constant 0 : i32
    %dma_start3A_178 = arith.constant 0 : i32
    %dma_start3A_179 = tpu.memref_slice %arg10[%dma_start3A_176, %dma_start3A_177, %dma_start3A_178] : memref<3x256x128xf32, #tpu.memory_space<vmem>> -> memref<1x256x128xf32, #tpu.memory_space<vmem>>
    %dma_start3A_180 = tpu.memref_squeeze %dma_start3A_179 : memref<1x256x128xf32, #tpu.memory_space<vmem>> -> memref<256x128xf32, #tpu.memory_space<vmem>>
    %dma_start3A_181 = arith.constant 0 : i32
    %dma_start3A_182 = tpu.memref_slice %arg4[%add3A_175, %dma_start3A_181] : memref<131072x128xf32, #tpu.memory_space<hbm>> -> memref<256x128xf32, #tpu.memory_space<hbm>>
    %dma_start3A_183 = arith.constant 0 : i32
    %dma_start3A_184 = arith.constant 0 : i32
    %dma_start3A_185 = tpu.memref_slice %arg10[%dma_start3A_176, %dma_start3A_183, %dma_start3A_184] : memref<3x256x128xf32, #tpu.memory_space<vmem>> -> memref<1x256x128xf32, #tpu.memory_space<vmem>>
    %dma_start3A_186 = tpu.memref_squeeze %dma_start3A_185 : memref<1x256x128xf32, #tpu.memory_space<vmem>> -> memref<256x128xf32, #tpu.memory_space<vmem>>
    %dma_start3A_187 = arith.constant 0 : i32
    %dma_start3A_188 = tpu.memref_slice %arg4[%add3A_175, %dma_start3A_187] : memref<131072x128xf32, #tpu.memory_space<hbm>> -> memref<256x128xf32, #tpu.memory_space<hbm>>
    tpu.enqueue_dma source(%dma_start3A_188 : memref<256x128xf32, #tpu.memory_space<hbm>>) target(%dma_start3A_186 : memref<256x128xf32, #tpu.memory_space<vmem>>) target_semaphore(%arg11 : memref<!tpu.dma_semaphore, #tpu.memory_space<semaphore_mem>>)
    %scan3A = arith.constant 0 : i32
    %scan3A_189 = arith.constant 16 : i32
    %scan3A_190 = arith.addi %scan3A, %scan3A_189 : i32
    %scan3A_191 = arith.constant 1 : i32
    scf.for %scan3A_255 = %scan3A to %scan3A_190 step %scan3A_191  : i32 {
      %mul3A_256 = arith.constant 1 : i32
      %mul3A_257 = arith.muli %scan3A_255, %mul3A_256 : i32
      %add3A_258 = arith.constant 0 : i32
      %add3A_259 = arith.addi %add3A_258, %mul3A_257 : i32
      %rem3A_260 = arith.constant 3 : i32
      %rem3A_261 = arith.remsi %add3A_259, %rem3A_260 : i32
      %mul3A_262 = arith.constant 256 : i32
      %mul3A_263 = arith.muli %add3A_259, %mul3A_262 : i32
      %add3A_264 = arith.addi %mul3A_143, %mul3A_263 : i32
      %dma_wait3A_265 = arith.constant 0 : i32
      %dma_wait3A_266 = arith.constant 0 : i32
      %dma_wait3A_267 = tpu.memref_slice %arg10[%rem3A_261, %dma_wait3A_265, %dma_wait3A_266] : memref<3x256x128xf32, #tpu.memory_space<vmem>> -> memref<1x256x128xf32, #tpu.memory_space<vmem>>
      %dma_wait3A_268 = tpu.memref_squeeze %dma_wait3A_267 : memref<1x256x128xf32, #tpu.memory_space<vmem>> -> memref<256x128xf32, #tpu.memory_space<vmem>>
      %dma_wait3A_269 = arith.constant 0 : i32
      %dma_wait3A_270 = tpu.memref_slice %arg4[%add3A_264, %dma_wait3A_269] : memref<131072x128xf32, #tpu.memory_space<hbm>> -> memref<256x128xf32, #tpu.memory_space<hbm>>
      %dma_wait3A_271 = arith.constant 0 : i32
      %dma_wait3A_272 = arith.constant 0 : i32
      %dma_wait3A_273 = tpu.memref_slice %arg10[%rem3A_261, %dma_wait3A_271, %dma_wait3A_272] : memref<3x256x128xf32, #tpu.memory_space<vmem>> -> memref<1x256x128xf32, #tpu.memory_space<vmem>>
      %dma_wait3A_274 = tpu.memref_squeeze %dma_wait3A_273 : memref<1x256x128xf32, #tpu.memory_space<vmem>> -> memref<256x128xf32, #tpu.memory_space<vmem>>
      %dma_wait3A_275 = arith.constant 0 : i32
      %dma_wait3A_276 = tpu.memref_slice %arg4[%add3A_264, %dma_wait3A_275] : memref<131072x128xf32, #tpu.memory_space<hbm>> -> memref<256x128xf32, #tpu.memory_space<hbm>>
      tpu.wait_dma2 semaphore(%arg11 : memref<!tpu.dma_semaphore, #tpu.memory_space<semaphore_mem>>) src(%dma_wait3A_276 : memref<256x128xf32, #tpu.memory_space<hbm>>) dst(%dma_wait3A_274 : memref<256x128xf32, #tpu.memory_space<vmem>>)
      %mul3A_277 = arith.constant 256 : i32
      %mul3A_278 = arith.muli %add3A_259, %mul3A_277 : i32
      %add3A_279 = arith.addi %mul3A_143, %mul3A_278 : i32
      %dma_start3A_280 = arith.constant 0 : i32
      %dma_start3A_281 = arith.constant 0 : i32
      %dma_start3A_282 = tpu.memref_slice %arg10[%rem3A_261, %dma_start3A_280, %dma_start3A_281] : memref<3x256x128xf32, #tpu.memory_space<vmem>> -> memref<1x256x128xf32, #tpu.memory_space<vmem>>
      %dma_start3A_283 = tpu.memref_squeeze %dma_start3A_282 : memref<1x256x128xf32, #tpu.memory_space<vmem>> -> memref<256x128xf32, #tpu.memory_space<vmem>>
      %dma_start3A_284 = arith.constant 0 : i32
      %dma_start3A_285 = tpu.memref_slice %arg5[%add3A_279, %dma_start3A_284] : memref<131072x128xf32, #tpu.memory_space<hbm>> -> memref<256x128xf32, #tpu.memory_space<hbm>>
      %dma_start3A_286 = arith.constant 0 : i32
      %dma_start3A_287 = tpu.memref_slice %arg5[%add3A_279, %dma_start3A_286] : memref<131072x128xf32, #tpu.memory_space<hbm>> -> memref<256x128xf32, #tpu.memory_space<hbm>>
      %dma_start3A_288 = arith.constant 0 : i32
      %dma_start3A_289 = arith.constant 0 : i32
      %dma_start3A_290 = tpu.memref_slice %arg10[%rem3A_261, %dma_start3A_288, %dma_start3A_289] : memref<3x256x128xf32, #tpu.memory_space<vmem>> -> memref<1x256x128xf32, #tpu.memory_space<vmem>>
      %dma_start3A_291 = tpu.memref_squeeze %dma_start3A_290 : memref<1x256x128xf32, #tpu.memory_space<vmem>> -> memref<256x128xf32, #tpu.memory_space<vmem>>
      tpu.enqueue_dma source(%dma_start3A_291 : memref<256x128xf32, #tpu.memory_space<vmem>>) target(%dma_start3A_287 : memref<256x128xf32, #tpu.memory_space<hbm>>) target_semaphore(%arg12 : memref<!tpu.dma_semaphore, #tpu.memory_space<semaphore_mem>>)
      %ge3A = arith.constant 1 : i32
      %ge3A_292 = arith.cmpi sge, %add3A_259, %ge3A : i32
      %add3A_293 = arith.constant 3 : i32
      %add3A_294 = arith.addi %add3A_259, %add3A_293 : i32
      %sub3A_295 = arith.constant 1 : i32
      %sub3A_296 = arith.subi %add3A_294, %sub3A_295 : i32
      %lt3A = arith.constant 16 : i32
      %lt3A_297 = arith.cmpi slt, %sub3A_296, %lt3A : i32
      %and3A_298 = arith.andi %ge3A_292, %lt3A_297 : i1
      %convert_element_type3A = arith.extui %and3A_298 : i1 to i32
      %cond3A = arith.constant 0 : i32
      %cond3A_299 = arith.cmpi ne, %convert_element_type3A, %cond3A : i32
      scf.if %cond3A_299 {
        %sub3A_300 = arith.constant 1 : i32
        %sub3A_301 = arith.subi %add3A_259, %sub3A_300 : i32
        %rem3A_302 = arith.constant 3 : i32
        %rem3A_303 = arith.remsi %sub3A_301, %rem3A_302 : i32
        %sub3A_304 = arith.constant 1 : i32
        %sub3A_305 = arith.subi %add3A_259, %sub3A_304 : i32
        %mul3A_306 = arith.constant 256 : i32
        %mul3A_307 = arith.muli %sub3A_305, %mul3A_306 : i32
        %add3A_308 = arith.addi %mul3A_143, %mul3A_307 : i32
        %dma_wait3A_309 = arith.constant 0 : i32
        %dma_wait3A_310 = arith.constant 0 : i32
        %dma_wait3A_311 = tpu.memref_slice %arg10[%rem3A_303, %dma_wait3A_309, %dma_wait3A_310] : memref<3x256x128xf32, #tpu.memory_space<vmem>> -> memref<1x256x128xf32, #tpu.memory_space<vmem>>
        %dma_wait3A_312 = tpu.memref_squeeze %dma_wait3A_311 : memref<1x256x128xf32, #tpu.memory_space<vmem>> -> memref<256x128xf32, #tpu.memory_space<vmem>>
        %dma_wait3A_313 = arith.constant 0 : i32
        %dma_wait3A_314 = tpu.memref_slice %arg5[%add3A_308, %dma_wait3A_313] : memref<131072x128xf32, #tpu.memory_space<hbm>> -> memref<256x128xf32, #tpu.memory_space<hbm>>
        %dma_wait3A_315 = arith.constant 0 : i32
        %dma_wait3A_316 = tpu.memref_slice %arg5[%add3A_308, %dma_wait3A_315] : memref<131072x128xf32, #tpu.memory_space<hbm>> -> memref<256x128xf32, #tpu.memory_space<hbm>>
        %dma_wait3A_317 = arith.constant 0 : i32
        %dma_wait3A_318 = arith.constant 0 : i32
        %dma_wait3A_319 = tpu.memref_slice %arg10[%rem3A_303, %dma_wait3A_317, %dma_wait3A_318] : memref<3x256x128xf32, #tpu.memory_space<vmem>> -> memref<1x256x128xf32, #tpu.memory_space<vmem>>
        %dma_wait3A_320 = tpu.memref_squeeze %dma_wait3A_319 : memref<1x256x128xf32, #tpu.memory_space<vmem>> -> memref<256x128xf32, #tpu.memory_space<vmem>>
        tpu.wait_dma2 semaphore(%arg12 : memref<!tpu.dma_semaphore, #tpu.memory_space<semaphore_mem>>) src(%dma_wait3A_320 : memref<256x128xf32, #tpu.memory_space<vmem>>) dst(%dma_wait3A_316 : memref<256x128xf32, #tpu.memory_space<hbm>>)
        %add3A_321 = arith.constant 3 : i32
        %add3A_322 = arith.addi %add3A_259, %add3A_321 : i32
        %sub3A_323 = arith.constant 1 : i32
        %sub3A_324 = arith.subi %add3A_322, %sub3A_323 : i32
        %mul3A_325 = arith.constant 256 : i32
        %mul3A_326 = arith.muli %sub3A_324, %mul3A_325 : i32
        %add3A_327 = arith.addi %mul3A_143, %mul3A_326 : i32
        %dma_start3A_328 = arith.constant 0 : i32
        %dma_start3A_329 = arith.constant 0 : i32
        %dma_start3A_330 = tpu.memref_slice %arg10[%rem3A_303, %dma_start3A_328, %dma_start3A_329] : memref<3x256x128xf32, #tpu.memory_space<vmem>> -> memref<1x256x128xf32, #tpu.memory_space<vmem>>
        %dma_start3A_331 = tpu.memref_squeeze %dma_start3A_330 : memref<1x256x128xf32, #tpu.memory_space<vmem>> -> memref<256x128xf32, #tpu.memory_space<vmem>>
        %dma_start3A_332 = arith.constant 0 : i32
        %dma_start3A_333 = tpu.memref_slice %arg4[%add3A_327, %dma_start3A_332] : memref<131072x128xf32, #tpu.memory_space<hbm>> -> memref<256x128xf32, #tpu.memory_space<hbm>>
        %dma_start3A_334 = arith.constant 0 : i32
        %dma_start3A_335 = arith.constant 0 : i32
        %dma_start3A_336 = tpu.memref_slice %arg10[%rem3A_303, %dma_start3A_334, %dma_start3A_335] : memref<3x256x128xf32, #tpu.memory_space<vmem>> -> memref<1x256x128xf32, #tpu.memory_space<vmem>>
        %dma_start3A_337 = tpu.memref_squeeze %dma_start3A_336 : memref<1x256x128xf32, #tpu.memory_space<vmem>> -> memref<256x128xf32, #tpu.memory_space<vmem>>
        %dma_start3A_338 = arith.constant 0 : i32
        %dma_start3A_339 = tpu.memref_slice %arg4[%add3A_327, %dma_start3A_338] : memref<131072x128xf32, #tpu.memory_space<hbm>> -> memref<256x128xf32, #tpu.memory_space<hbm>>
        tpu.enqueue_dma source(%dma_start3A_339 : memref<256x128xf32, #tpu.memory_space<hbm>>) target(%dma_start3A_337 : memref<256x128xf32, #tpu.memory_space<vmem>>) target_semaphore(%arg11 : memref<!tpu.dma_semaphore, #tpu.memory_space<semaphore_mem>>)
      } else {
      }
    }
    %scan3A_192 = arith.constant 16 : i32
    %add3A_193 = arith.constant 3328 : i32
    %add3A_194 = arith.addi %mul3A_143, %add3A_193 : i32
    %dma_wait3A = arith.constant 1 : i32
    %dma_wait3A_195 = arith.constant 0 : i32
    %dma_wait3A_196 = arith.constant 0 : i32
    %dma_wait3A_197 = tpu.memref_slice %arg10[%dma_wait3A, %dma_wait3A_195, %dma_wait3A_196] : memref<3x256x128xf32, #tpu.memory_space<vmem>> -> memref<1x256x128xf32, #tpu.memory_space<vmem>>
    %dma_wait3A_198 = tpu.memref_squeeze %dma_wait3A_197 : memref<1x256x128xf32, #tpu.memory_space<vmem>> -> memref<256x128xf32, #tpu.memory_space<vmem>>
    %dma_wait3A_199 = arith.constant 0 : i32
    %dma_wait3A_200 = tpu.memref_slice %arg5[%add3A_194, %dma_wait3A_199] : memref<131072x128xf32, #tpu.memory_space<hbm>> -> memref<256x128xf32, #tpu.memory_space<hbm>>
    %dma_wait3A_201 = arith.constant 0 : i32
    %dma_wait3A_202 = tpu.memref_slice %arg5[%add3A_194, %dma_wait3A_201] : memref<131072x128xf32, #tpu.memory_space<hbm>> -> memref<256x128xf32, #tpu.memory_space<hbm>>
    %dma_wait3A_203 = arith.constant 0 : i32
    %dma_wait3A_204 = arith.constant 0 : i32
    %dma_wait3A_205 = tpu.memref_slice %arg10[%dma_wait3A, %dma_wait3A_203, %dma_wait3A_204] : memref<3x256x128xf32, #tpu.memory_space<vmem>> -> memref<1x256x128xf32, #tpu.memory_space<vmem>>
    %dma_wait3A_206 = tpu.memref_squeeze %dma_wait3A_205 : memref<1x256x128xf32, #tpu.memory_space<vmem>> -> memref<256x128xf32, #tpu.memory_space<vmem>>
    tpu.wait_dma2 semaphore(%arg12 : memref<!tpu.dma_semaphore, #tpu.memory_space<semaphore_mem>>) src(%dma_wait3A_206 : memref<256x128xf32, #tpu.memory_space<vmem>>) dst(%dma_wait3A_202 : memref<256x128xf32, #tpu.memory_space<hbm>>)
    %add3A_207 = arith.constant 3584 : i32
    %add3A_208 = arith.addi %mul3A_143, %add3A_207 : i32
    %dma_wait3A_209 = arith.constant 2 : i32
    %dma_wait3A_210 = arith.constant 0 : i32
    %dma_wait3A_211 = arith.constant 0 : i32
    %dma_wait3A_212 = tpu.memref_slice %arg10[%dma_wait3A_209, %dma_wait3A_210, %dma_wait3A_211] : memref<3x256x128xf32, #tpu.memory_space<vmem>> -> memref<1x256x128xf32, #tpu.memory_space<vmem>>
    %dma_wait3A_213 = tpu.memref_squeeze %dma_wait3A_212 : memref<1x256x128xf32, #tpu.memory_space<vmem>> -> memref<256x128xf32, #tpu.memory_space<vmem>>
    %dma_wait3A_214 = arith.constant 0 : i32
    %dma_wait3A_215 = tpu.memref_slice %arg5[%add3A_208, %dma_wait3A_214] : memref<131072x128xf32, #tpu.memory_space<hbm>> -> memref<256x128xf32, #tpu.memory_space<hbm>>
    %dma_wait3A_216 = arith.constant 0 : i32
    %dma_wait3A_217 = tpu.memref_slice %arg5[%add3A_208, %dma_wait3A_216] : memref<131072x128xf32, #tpu.memory_space<hbm>> -> memref<256x128xf32, #tpu.memory_space<hbm>>
    %dma_wait3A_218 = arith.constant 0 : i32
    %dma_wait3A_219 = arith.constant 0 : i32
    %dma_wait3A_220 = tpu.memref_slice %arg10[%dma_wait3A_209, %dma_wait3A_218, %dma_wait3A_219] : memref<3x256x128xf32, #tpu.memory_space<vmem>> -> memref<1x256x128xf32, #tpu.memory_space<vmem>>
    %dma_wait3A_221 = tpu.memref_squeeze %dma_wait3A_220 : memref<1x256x128xf32, #tpu.memory_space<vmem>> -> memref<256x128xf32, #tpu.memory_space<vmem>>
    tpu.wait_dma2 semaphore(%arg12 : memref<!tpu.dma_semaphore, #tpu.memory_space<semaphore_mem>>) src(%dma_wait3A_221 : memref<256x128xf32, #tpu.memory_space<vmem>>) dst(%dma_wait3A_217 : memref<256x128xf32, #tpu.memory_space<hbm>>)
    %add3A_222 = arith.constant 3840 : i32
    %add3A_223 = arith.addi %mul3A_143, %add3A_222 : i32
    %dma_wait3A_224 = arith.constant 0 : i32
    %dma_wait3A_225 = arith.constant 0 : i32
    %dma_wait3A_226 = arith.constant 0 : i32
    %dma_wait3A_227 = tpu.memref_slice %arg10[%dma_wait3A_224, %dma_wait3A_225, %dma_wait3A_226] : memref<3x256x128xf32, #tpu.memory_space<vmem>> -> memref<1x256x128xf32, #tpu.memory_space<vmem>>
    %dma_wait3A_228 = tpu.memref_squeeze %dma_wait3A_227 : memref<1x256x128xf32, #tpu.memory_space<vmem>> -> memref<256x128xf32, #tpu.memory_space<vmem>>
    %dma_wait3A_229 = arith.constant 0 : i32
    %dma_wait3A_230 = tpu.memref_slice %arg5[%add3A_223, %dma_wait3A_229] : memref<131072x128xf32, #tpu.memory_space<hbm>> -> memref<256x128xf32, #tpu.memory_space<hbm>>
    %dma_wait3A_231 = arith.constant 0 : i32
    %dma_wait3A_232 = tpu.memref_slice %arg5[%add3A_223, %dma_wait3A_231] : memref<131072x128xf32, #tpu.memory_space<hbm>> -> memref<256x128xf32, #tpu.memory_space<hbm>>
    %dma_wait3A_233 = arith.constant 0 : i32
    %dma_wait3A_234 = arith.constant 0 : i32
    %dma_wait3A_235 = tpu.memref_slice %arg10[%dma_wait3A_224, %dma_wait3A_233, %dma_wait3A_234] : memref<3x256x128xf32, #tpu.memory_space<vmem>> -> memref<1x256x128xf32, #tpu.memory_space<vmem>>
    %dma_wait3A_236 = tpu.memref_squeeze %dma_wait3A_235 : memref<1x256x128xf32, #tpu.memory_space<vmem>> -> memref<256x128xf32, #tpu.memory_space<vmem>>
    tpu.wait_dma2 semaphore(%arg12 : memref<!tpu.dma_semaphore, #tpu.memory_space<semaphore_mem>>) src(%dma_wait3A_236 : memref<256x128xf32, #tpu.memory_space<vmem>>) dst(%dma_wait3A_232 : memref<256x128xf32, #tpu.memory_space<hbm>>)
    %dma_wait3A_237 = arith.constant 0 : i32
    %dma_wait3A_238 = arith.constant 0 : i32
    %dma_wait3A_239 = tpu.memref_slice %arg2[%dma_wait3A_237, %dma_wait3A_238] : memref<1024x128xf32, #tpu.memory_space<hbm>> -> memref<1024x128xf32, #tpu.memory_space<hbm>>
    tpu.wait_indirect_dma semaphore(%arg13 : memref<!tpu.dma_semaphore, #tpu.memory_space<semaphore_mem>>) src(%dma_wait3A_239 : memref<1024x128xf32, #tpu.memory_space<hbm>>) dst(%arg8 : memref<16x128xf32, #tpu.memory_space<vmem>>)
    %dma_wait3A_240 = arith.constant 0 : i32
    %dma_wait3A_241 = arith.constant 0 : i32
    %dma_wait3A_242 = tpu.memref_slice %arg2[%dma_wait3A_240, %dma_wait3A_241] : memref<1024x128xf32, #tpu.memory_space<hbm>> -> memref<1024x128xf32, #tpu.memory_space<hbm>>
    tpu.wait_indirect_dma semaphore(%arg13 : memref<!tpu.dma_semaphore, #tpu.memory_space<semaphore_mem>>) src(%dma_wait3A_242 : memref<1024x128xf32, #tpu.memory_space<hbm>>) dst(%arg9 : memref<16x128xf32, #tpu.memory_space<vmem>>)
    %dma_start3A_243 = arith.constant 0 : i32
    %dma_start3A_244 = arith.constant 0 : i32
    %dma_start3A_245 = tpu.memref_slice %arg5[%dma_start3A_243, %dma_start3A_244] : memref<131072x128xf32, #tpu.memory_space<hbm>> -> memref<131072x128xf32, #tpu.memory_space<hbm>>
    tpu.enqueue_indirect_dma source(%arg8 : memref<16x128xf32, #tpu.memory_space<vmem>>) target(%dma_start3A_245 : memref<131072x128xf32, #tpu.memory_space<hbm>>) offsets(%add3A_87 : vector<16xi32>) semaphore(%arg13 : memref<!tpu.dma_semaphore, #tpu.memory_space<semaphore_mem>>)
    %dma_start3A_246 = arith.constant 0 : i32
    %dma_start3A_247 = arith.constant 0 : i32
    %dma_start3A_248 = tpu.memref_slice %arg5[%dma_start3A_246, %dma_start3A_247] : memref<131072x128xf32, #tpu.memory_space<hbm>> -> memref<131072x128xf32, #tpu.memory_space<hbm>>
    tpu.enqueue_indirect_dma source(%arg9 : memref<16x128xf32, #tpu.memory_space<vmem>>) target(%dma_start3A_248 : memref<131072x128xf32, #tpu.memory_space<hbm>>) offsets(%add3A_136 : vector<16xi32>) semaphore(%arg13 : memref<!tpu.dma_semaphore, #tpu.memory_space<semaphore_mem>>)
    %dma_wait3A_249 = arith.constant 0 : i32
    %dma_wait3A_250 = arith.constant 0 : i32
    %dma_wait3A_251 = tpu.memref_slice %arg5[%dma_wait3A_249, %dma_wait3A_250] : memref<131072x128xf32, #tpu.memory_space<hbm>> -> memref<131072x128xf32, #tpu.memory_space<hbm>>
    tpu.wait_indirect_dma semaphore(%arg13 : memref<!tpu.dma_semaphore, #tpu.memory_space<semaphore_mem>>) src(%arg8 : memref<16x128xf32, #tpu.memory_space<vmem>>) dst(%dma_wait3A_251 : memref<131072x128xf32, #tpu.memory_space<hbm>>)
    %dma_wait3A_252 = arith.constant 0 : i32
    %dma_wait3A_253 = arith.constant 0 : i32
    %dma_wait3A_254 = tpu.memref_slice %arg5[%dma_wait3A_252, %dma_wait3A_253] : memref<131072x128xf32, #tpu.memory_space<hbm>> -> memref<131072x128xf32, #tpu.memory_space<hbm>>
    tpu.wait_indirect_dma semaphore(%arg13 : memref<!tpu.dma_semaphore, #tpu.memory_space<semaphore_mem>>) src(%arg9 : memref<16x128xf32, #tpu.memory_space<vmem>>) dst(%dma_wait3A_254 : memref<131072x128xf32, #tpu.memory_space<hbm>>)
    return
  }
}

module attributes {stable_mosaic.version = 14 : i64} {
  func.func @_tc_copy_scatter_body(%arg0: i32, %arg1: i32, %arg2: memref<8x16xi32, #tpu.memory_space<smem>>, %arg3: memref<1x4x16x128xf32, #tpu.memory_space<vmem>>, %arg4: memref<1x4x2048x128xf32, #tpu.memory_space<vmem>>, %arg5: memref<1x4x2048x128xf32, #tpu.memory_space<vmem>>) attributes {dimension_semantics = [#tpu.dimension_semantics<arbitrary>, #tpu.dimension_semantics<arbitrary>], iteration_bounds = array<i64: 8, 2>, scalar_prefetch = 1 : i64, scratch_operands = 0 : i64, tpu.core_type = #tpu.core_type<tc>, window_params = [{transform_indices = @transform_0, window_bounds = array<i64: 1, 4, 16, 128>}, {transform_indices = @transform_1, window_bounds = array<i64: 1, 4, 2048, 128>}, {transform_indices = @transform_2, window_bounds = array<i64: 1, 4, 2048, 128>}]} {
    %get3A = arith.constant 0 : index
    %get3A_0 = arith.constant 0 : index
    %get3A_1 = arith.constant 0 : index
    %get3A_2 = arith.constant 0 : index
    %get3A_3 = vector.load %arg4[%get3A, %get3A_0, %get3A_1, %get3A_2] : memref<1x4x2048x128xf32, #tpu.memory_space<vmem>>, vector<1x4x2048x128xf32>
    %swap3A = arith.constant 0 : index
    %swap3A_4 = arith.constant 0 : index
    %swap3A_5 = arith.constant 0 : index
    %swap3A_6 = arith.constant 0 : index
    %swap3A_7 = vector.load %arg5[%swap3A, %swap3A_4, %swap3A_5, %swap3A_6] : memref<1x4x2048x128xf32, #tpu.memory_space<vmem>>, vector<1x4x2048x128xf32>
    tpu.vector_store %arg5[%swap3A, %swap3A_4, %swap3A_5, %swap3A_6], %get3A_3 {strides = array<i32>} : memref<1x4x2048x128xf32, #tpu.memory_space<vmem>>, vector<1x4x2048x128xf32>,
    %get3A_8 = arith.index_cast %arg0 : i32 to index
    %get3A_9 = arith.constant 0 : index
    %get3A_10 = memref.load %arg2[%get3A_8, %get3A_9] : memref<8x16xi32, #tpu.memory_space<smem>>
    %get3A_11 = arith.constant 0 : index
    %get3A_12 = arith.constant 0 : index
    %get3A_13 = arith.constant 0 : index
    %get3A_14 = arith.constant 0 : index
    %get3A_15 = vector.load %arg3[%get3A_11, %get3A_12, %get3A_13, %get3A_14] : memref<1x4x16x128xf32, #tpu.memory_space<vmem>>, vector<1x1x1x128xf32>
    %get3A_16 = vector.shape_cast %get3A_15 : vector<1x1x1x128xf32> to vector<1x128xf32>
    %swap3A_17 = arith.constant 0 : index
    %swap3A_18 = arith.constant 0 : index
    %swap3A_19 = arith.index_cast %get3A_10 : i32 to index
    %swap3A_20 = arith.constant 0 : index
    %swap3A_21 = vector.load %arg5[%swap3A_17, %swap3A_18, %swap3A_19, %swap3A_20] : memref<1x4x2048x128xf32, #tpu.memory_space<vmem>>, vector<1x1x1x128xf32>
    %swap3A_22 = vector.shape_cast %swap3A_21 : vector<1x1x1x128xf32> to vector<1x128xf32>
    %swap3A_23 = vector.shape_cast %get3A_16 : vector<1x128xf32> to vector<1x1x1x128xf32>
    tpu.vector_store %arg5[%swap3A_17, %swap3A_18, %swap3A_19, %swap3A_20], %swap3A_23 {strides = array<i32>} : memref<1x4x2048x128xf32, #tpu.memory_space<vmem>>, vector<1x1x1x128xf32>,
    %get3A_24 = arith.constant 0 : index
    %get3A_25 = arith.constant 1 : index
    %get3A_26 = arith.constant 0 : index
    %get3A_27 = arith.constant 0 : index
    %get3A_28 = vector.load %arg3[%get3A_24, %get3A_25, %get3A_26, %get3A_27] : memref<1x4x16x128xf32, #tpu.memory_space<vmem>>, vector<1x1x1x128xf32>
    %get3A_29 = vector.shape_cast %get3A_28 : vector<1x1x1x128xf32> to vector<1x128xf32>
    %swap3A_30 = arith.constant 0 : index
    %swap3A_31 = arith.constant 1 : index
    %swap3A_32 = arith.index_cast %get3A_10 : i32 to index
    %swap3A_33 = arith.constant 0 : index
    %swap3A_34 = vector.load %arg5[%swap3A_30, %swap3A_31, %swap3A_32, %swap3A_33] : memref<1x4x2048x128xf32, #tpu.memory_space<vmem>>, vector<1x1x1x128xf32>
    %swap3A_35 = vector.shape_cast %swap3A_34 : vector<1x1x1x128xf32> to vector<1x128xf32>
    %swap3A_36 = vector.shape_cast %get3A_29 : vector<1x128xf32> to vector<1x1x1x128xf32>
    tpu.vector_store %arg5[%swap3A_30, %swap3A_31, %swap3A_32, %swap3A_33], %swap3A_36 {strides = array<i32>} : memref<1x4x2048x128xf32, #tpu.memory_space<vmem>>, vector<1x1x1x128xf32>,
    %get3A_37 = arith.constant 0 : index
    %get3A_38 = arith.constant 2 : index
    %get3A_39 = arith.constant 0 : index
    %get3A_40 = arith.constant 0 : index
    %get3A_41 = vector.load %arg3[%get3A_37, %get3A_38, %get3A_39, %get3A_40] : memref<1x4x16x128xf32, #tpu.memory_space<vmem>>, vector<1x1x1x128xf32>
    %get3A_42 = vector.shape_cast %get3A_41 : vector<1x1x1x128xf32> to vector<1x128xf32>
    %swap3A_43 = arith.constant 0 : index
    %swap3A_44 = arith.constant 2 : index
    %swap3A_45 = arith.index_cast %get3A_10 : i32 to index
    %swap3A_46 = arith.constant 0 : index
    %swap3A_47 = vector.load %arg5[%swap3A_43, %swap3A_44, %swap3A_45, %swap3A_46] : memref<1x4x2048x128xf32, #tpu.memory_space<vmem>>, vector<1x1x1x128xf32>
    %swap3A_48 = vector.shape_cast %swap3A_47 : vector<1x1x1x128xf32> to vector<1x128xf32>
    %swap3A_49 = vector.shape_cast %get3A_42 : vector<1x128xf32> to vector<1x1x1x128xf32>
    tpu.vector_store %arg5[%swap3A_43, %swap3A_44, %swap3A_45, %swap3A_46], %swap3A_49 {strides = array<i32>} : memref<1x4x2048x128xf32, #tpu.memory_space<vmem>>, vector<1x1x1x128xf32>,
    %get3A_50 = arith.constant 0 : index
    %get3A_51 = arith.constant 3 : index
    %get3A_52 = arith.constant 0 : index
    %get3A_53 = arith.constant 0 : index
    %get3A_54 = vector.load %arg3[%get3A_50, %get3A_51, %get3A_52, %get3A_53] : memref<1x4x16x128xf32, #tpu.memory_space<vmem>>, vector<1x1x1x128xf32>
    %get3A_55 = vector.shape_cast %get3A_54 : vector<1x1x1x128xf32> to vector<1x128xf32>
    %swap3A_56 = arith.constant 0 : index
    %swap3A_57 = arith.constant 3 : index
    %swap3A_58 = arith.index_cast %get3A_10 : i32 to index
    %swap3A_59 = arith.constant 0 : index
    %swap3A_60 = vector.load %arg5[%swap3A_56, %swap3A_57, %swap3A_58, %swap3A_59] : memref<1x4x2048x128xf32, #tpu.memory_space<vmem>>, vector<1x1x1x128xf32>
    %swap3A_61 = vector.shape_cast %swap3A_60 : vector<1x1x1x128xf32> to vector<1x128xf32>
    %swap3A_62 = vector.shape_cast %get3A_55 : vector<1x128xf32> to vector<1x1x1x128xf32>
    tpu.vector_store %arg5[%swap3A_56, %swap3A_57, %swap3A_58, %swap3A_59], %swap3A_62 {strides = array<i32>} : memref<1x4x2048x128xf32, #tpu.memory_space<vmem>>, vector<1x1x1x128xf32>,
    %get3A_63 = arith.index_cast %arg0 : i32 to index
    %get3A_64 = arith.constant 1 : index
    %get3A_65 = memref.load %arg2[%get3A_63, %get3A_64] : memref<8x16xi32, #tpu.memory_space<smem>>
    %get3A_66 = arith.constant 0 : index
    %get3A_67 = arith.constant 0 : index
    %get3A_68 = arith.constant 1 : index
    %get3A_69 = arith.constant 0 : index
    %get3A_70 = vector.load %arg3[%get3A_66, %get3A_67, %get3A_68, %get3A_69] : memref<1x4x16x128xf32, #tpu.memory_space<vmem>>, vector<1x1x1x128xf32>
    %get3A_71 = vector.shape_cast %get3A_70 : vector<1x1x1x128xf32> to vector<1x128xf32>
    %swap3A_72 = arith.constant 0 : index
    %swap3A_73 = arith.constant 0 : index
    %swap3A_74 = arith.index_cast %get3A_65 : i32 to index
    %swap3A_75 = arith.constant 0 : index
    %swap3A_76 = vector.load %arg5[%swap3A_72, %swap3A_73, %swap3A_74, %swap3A_75] : memref<1x4x2048x128xf32, #tpu.memory_space<vmem>>, vector<1x1x1x128xf32>
    %swap3A_77 = vector.shape_cast %swap3A_76 : vector<1x1x1x128xf32> to vector<1x128xf32>
    %swap3A_78 = vector.shape_cast %get3A_71 : vector<1x128xf32> to vector<1x1x1x128xf32>
    tpu.vector_store %arg5[%swap3A_72, %swap3A_73, %swap3A_74, %swap3A_75], %swap3A_78 {strides = array<i32>} : memref<1x4x2048x128xf32, #tpu.memory_space<vmem>>, vector<1x1x1x128xf32>,
    %get3A_79 = arith.constant 0 : index
    %get3A_80 = arith.constant 1 : index
    %get3A_81 = arith.constant 1 : index
    %get3A_82 = arith.constant 0 : index
    %get3A_83 = vector.load %arg3[%get3A_79, %get3A_80, %get3A_81, %get3A_82] : memref<1x4x16x128xf32, #tpu.memory_space<vmem>>, vector<1x1x1x128xf32>
    %get3A_84 = vector.shape_cast %get3A_83 : vector<1x1x1x128xf32> to vector<1x128xf32>
    %swap3A_85 = arith.constant 0 : index
    %swap3A_86 = arith.constant 1 : index
    %swap3A_87 = arith.index_cast %get3A_65 : i32 to index
    %swap3A_88 = arith.constant 0 : index
    %swap3A_89 = vector.load %arg5[%swap3A_85, %swap3A_86, %swap3A_87, %swap3A_88] : memref<1x4x2048x128xf32, #tpu.memory_space<vmem>>, vector<1x1x1x128xf32>
    %swap3A_90 = vector.shape_cast %swap3A_89 : vector<1x1x1x128xf32> to vector<1x128xf32>
    %swap3A_91 = vector.shape_cast %get3A_84 : vector<1x128xf32> to vector<1x1x1x128xf32>
    tpu.vector_store %arg5[%swap3A_85, %swap3A_86, %swap3A_87, %swap3A_88], %swap3A_91 {strides = array<i32>} : memref<1x4x2048x128xf32, #tpu.memory_space<vmem>>, vector<1x1x1x128xf32>,
    %get3A_92 = arith.constant 0 : index
    %get3A_93 = arith.constant 2 : index
    %get3A_94 = arith.constant 1 : index
    %get3A_95 = arith.constant 0 : index
    %get3A_96 = vector.load %arg3[%get3A_92, %get3A_93, %get3A_94, %get3A_95] : memref<1x4x16x128xf32, #tpu.memory_space<vmem>>, vector<1x1x1x128xf32>
    %get3A_97 = vector.shape_cast %get3A_96 : vector<1x1x1x128xf32> to vector<1x128xf32>
    %swap3A_98 = arith.constant 0 : index
    %swap3A_99 = arith.constant 2 : index
    %swap3A_100 = arith.index_cast %get3A_65 : i32 to index
    %swap3A_101 = arith.constant 0 : index
    %swap3A_102 = vector.load %arg5[%swap3A_98, %swap3A_99, %swap3A_100, %swap3A_101] : memref<1x4x2048x128xf32, #tpu.memory_space<vmem>>, vector<1x1x1x128xf32>
    %swap3A_103 = vector.shape_cast %swap3A_102 : vector<1x1x1x128xf32> to vector<1x128xf32>
    %swap3A_104 = vector.shape_cast %get3A_97 : vector<1x128xf32> to vector<1x1x1x128xf32>
    tpu.vector_store %arg5[%swap3A_98, %swap3A_99, %swap3A_100, %swap3A_101], %swap3A_104 {strides = array<i32>} : memref<1x4x2048x128xf32, #tpu.memory_space<vmem>>, vector<1x1x1x128xf32>,
    %get3A_105 = arith.constant 0 : index
    %get3A_106 = arith.constant 3 : index
    %get3A_107 = arith.constant 1 : index
    %get3A_108 = arith.constant 0 : index
    %get3A_109 = vector.load %arg3[%get3A_105, %get3A_106, %get3A_107, %get3A_108] : memref<1x4x16x128xf32, #tpu.memory_space<vmem>>, vector<1x1x1x128xf32>
    %get3A_110 = vector.shape_cast %get3A_109 : vector<1x1x1x128xf32> to vector<1x128xf32>
    %swap3A_111 = arith.constant 0 : index
    %swap3A_112 = arith.constant 3 : index
    %swap3A_113 = arith.index_cast %get3A_65 : i32 to index
    %swap3A_114 = arith.constant 0 : index
    %swap3A_115 = vector.load %arg5[%swap3A_111, %swap3A_112, %swap3A_113, %swap3A_114] : memref<1x4x2048x128xf32, #tpu.memory_space<vmem>>, vector<1x1x1x128xf32>
    %swap3A_116 = vector.shape_cast %swap3A_115 : vector<1x1x1x128xf32> to vector<1x128xf32>
    %swap3A_117 = vector.shape_cast %get3A_110 : vector<1x128xf32> to vector<1x1x1x128xf32>
    tpu.vector_store %arg5[%swap3A_111, %swap3A_112, %swap3A_113, %swap3A_114], %swap3A_117 {strides = array<i32>} : memref<1x4x2048x128xf32, #tpu.memory_space<vmem>>, vector<1x1x1x128xf32>,
    %get3A_118 = arith.index_cast %arg0 : i32 to index
    %get3A_119 = arith.constant 2 : index
    %get3A_120 = memref.load %arg2[%get3A_118, %get3A_119] : memref<8x16xi32, #tpu.memory_space<smem>>
    %get3A_121 = arith.constant 0 : index
    %get3A_122 = arith.constant 0 : index
    %get3A_123 = arith.constant 2 : index
    %get3A_124 = arith.constant 0 : index
    %get3A_125 = vector.load %arg3[%get3A_121, %get3A_122, %get3A_123, %get3A_124] : memref<1x4x16x128xf32, #tpu.memory_space<vmem>>, vector<1x1x1x128xf32>
    %get3A_126 = vector.shape_cast %get3A_125 : vector<1x1x1x128xf32> to vector<1x128xf32>
    %swap3A_127 = arith.constant 0 : index
    %swap3A_128 = arith.constant 0 : index
    %swap3A_129 = arith.index_cast %get3A_120 : i32 to index
    %swap3A_130 = arith.constant 0 : index
    %swap3A_131 = vector.load %arg5[%swap3A_127, %swap3A_128, %swap3A_129, %swap3A_130] : memref<1x4x2048x128xf32, #tpu.memory_space<vmem>>, vector<1x1x1x128xf32>
    %swap3A_132 = vector.shape_cast %swap3A_131 : vector<1x1x1x128xf32> to vector<1x128xf32>
    %swap3A_133 = vector.shape_cast %get3A_126 : vector<1x128xf32> to vector<1x1x1x128xf32>
    tpu.vector_store %arg5[%swap3A_127, %swap3A_128, %swap3A_129, %swap3A_130], %swap3A_133 {strides = array<i32>} : memref<1x4x2048x128xf32, #tpu.memory_space<vmem>>, vector<1x1x1x128xf32>,
    %get3A_134 = arith.constant 0 : index
    %get3A_135 = arith.constant 1 : index
    %get3A_136 = arith.constant 2 : index
    %get3A_137 = arith.constant 0 : index
    %get3A_138 = vector.load %arg3[%get3A_134, %get3A_135, %get3A_136, %get3A_137] : memref<1x4x16x128xf32, #tpu.memory_space<vmem>>, vector<1x1x1x128xf32>
    %get3A_139 = vector.shape_cast %get3A_138 : vector<1x1x1x128xf32> to vector<1x128xf32>
    %swap3A_140 = arith.constant 0 : index
    %swap3A_141 = arith.constant 1 : index
    %swap3A_142 = arith.index_cast %get3A_120 : i32 to index
    %swap3A_143 = arith.constant 0 : index
    %swap3A_144 = vector.load %arg5[%swap3A_140, %swap3A_141, %swap3A_142, %swap3A_143] : memref<1x4x2048x128xf32, #tpu.memory_space<vmem>>, vector<1x1x1x128xf32>
    %swap3A_145 = vector.shape_cast %swap3A_144 : vector<1x1x1x128xf32> to vector<1x128xf32>
    %swap3A_146 = vector.shape_cast %get3A_139 : vector<1x128xf32> to vector<1x1x1x128xf32>
    tpu.vector_store %arg5[%swap3A_140, %swap3A_141, %swap3A_142, %swap3A_143], %swap3A_146 {strides = array<i32>} : memref<1x4x2048x128xf32, #tpu.memory_space<vmem>>, vector<1x1x1x128xf32>,
    %get3A_147 = arith.constant 0 : index
    %get3A_148 = arith.constant 2 : index
    %get3A_149 = arith.constant 2 : index
    %get3A_150 = arith.constant 0 : index
    %get3A_151 = vector.load %arg3[%get3A_147, %get3A_148, %get3A_149, %get3A_150] : memref<1x4x16x128xf32, #tpu.memory_space<vmem>>, vector<1x1x1x128xf32>
    %get3A_152 = vector.shape_cast %get3A_151 : vector<1x1x1x128xf32> to vector<1x128xf32>
    %swap3A_153 = arith.constant 0 : index
    %swap3A_154 = arith.constant 2 : index
    %swap3A_155 = arith.index_cast %get3A_120 : i32 to index
    %swap3A_156 = arith.constant 0 : index
    %swap3A_157 = vector.load %arg5[%swap3A_153, %swap3A_154, %swap3A_155, %swap3A_156] : memref<1x4x2048x128xf32, #tpu.memory_space<vmem>>, vector<1x1x1x128xf32>
    %swap3A_158 = vector.shape_cast %swap3A_157 : vector<1x1x1x128xf32> to vector<1x128xf32>
    %swap3A_159 = vector.shape_cast %get3A_152 : vector<1x128xf32> to vector<1x1x1x128xf32>
    tpu.vector_store %arg5[%swap3A_153, %swap3A_154, %swap3A_155, %swap3A_156], %swap3A_159 {strides = array<i32>} : memref<1x4x2048x128xf32, #tpu.memory_space<vmem>>, vector<1x1x1x128xf32>,
    %get3A_160 = arith.constant 0 : index
    %get3A_161 = arith.constant 3 : index
    %get3A_162 = arith.constant 2 : index
    %get3A_163 = arith.constant 0 : index
    %get3A_164 = vector.load %arg3[%get3A_160, %get3A_161, %get3A_162, %get3A_163] : memref<1x4x16x128xf32, #tpu.memory_space<vmem>>, vector<1x1x1x128xf32>
    %get3A_165 = vector.shape_cast %get3A_164 : vector<1x1x1x128xf32> to vector<1x128xf32>
    %swap3A_166 = arith.constant 0 : index
    %swap3A_167 = arith.constant 3 : index
    %swap3A_168 = arith.index_cast %get3A_120 : i32 to index
    %swap3A_169 = arith.constant 0 : index
    %swap3A_170 = vector.load %arg5[%swap3A_166, %swap3A_167, %swap3A_168, %swap3A_169] : memref<1x4x2048x128xf32, #tpu.memory_space<vmem>>, vector<1x1x1x128xf32>
    %swap3A_171 = vector.shape_cast %swap3A_170 : vector<1x1x1x128xf32> to vector<1x128xf32>
    %swap3A_172 = vector.shape_cast %get3A_165 : vector<1x128xf32> to vector<1x1x1x128xf32>
    tpu.vector_store %arg5[%swap3A_166, %swap3A_167, %swap3A_168, %swap3A_169], %swap3A_172 {strides = array<i32>} : memref<1x4x2048x128xf32, #tpu.memory_space<vmem>>, vector<1x1x1x128xf32>,
    %get3A_173 = arith.index_cast %arg0 : i32 to index
    %get3A_174 = arith.constant 3 : index
    %get3A_175 = memref.load %arg2[%get3A_173, %get3A_174] : memref<8x16xi32, #tpu.memory_space<smem>>
    %get3A_176 = arith.constant 0 : index
    %get3A_177 = arith.constant 0 : index
    %get3A_178 = arith.constant 3 : index
    %get3A_179 = arith.constant 0 : index
    %get3A_180 = vector.load %arg3[%get3A_176, %get3A_177, %get3A_178, %get3A_179] : memref<1x4x16x128xf32, #tpu.memory_space<vmem>>, vector<1x1x1x128xf32>
    %get3A_181 = vector.shape_cast %get3A_180 : vector<1x1x1x128xf32> to vector<1x128xf32>
    %swap3A_182 = arith.constant 0 : index
    %swap3A_183 = arith.constant 0 : index
    %swap3A_184 = arith.index_cast %get3A_175 : i32 to index
    %swap3A_185 = arith.constant 0 : index
    %swap3A_186 = vector.load %arg5[%swap3A_182, %swap3A_183, %swap3A_184, %swap3A_185] : memref<1x4x2048x128xf32, #tpu.memory_space<vmem>>, vector<1x1x1x128xf32>
    %swap3A_187 = vector.shape_cast %swap3A_186 : vector<1x1x1x128xf32> to vector<1x128xf32>
    %swap3A_188 = vector.shape_cast %get3A_181 : vector<1x128xf32> to vector<1x1x1x128xf32>
    tpu.vector_store %arg5[%swap3A_182, %swap3A_183, %swap3A_184, %swap3A_185], %swap3A_188 {strides = array<i32>} : memref<1x4x2048x128xf32, #tpu.memory_space<vmem>>, vector<1x1x1x128xf32>,
    %get3A_189 = arith.constant 0 : index
    %get3A_190 = arith.constant 1 : index
    %get3A_191 = arith.constant 3 : index
    %get3A_192 = arith.constant 0 : index
    %get3A_193 = vector.load %arg3[%get3A_189, %get3A_190, %get3A_191, %get3A_192] : memref<1x4x16x128xf32, #tpu.memory_space<vmem>>, vector<1x1x1x128xf32>
    %get3A_194 = vector.shape_cast %get3A_193 : vector<1x1x1x128xf32> to vector<1x128xf32>
    %swap3A_195 = arith.constant 0 : index
    %swap3A_196 = arith.constant 1 : index
    %swap3A_197 = arith.index_cast %get3A_175 : i32 to index
    %swap3A_198 = arith.constant 0 : index
    %swap3A_199 = vector.load %arg5[%swap3A_195, %swap3A_196, %swap3A_197, %swap3A_198] : memref<1x4x2048x128xf32, #tpu.memory_space<vmem>>, vector<1x1x1x128xf32>
    %swap3A_200 = vector.shape_cast %swap3A_199 : vector<1x1x1x128xf32> to vector<1x128xf32>
    %swap3A_201 = vector.shape_cast %get3A_194 : vector<1x128xf32> to vector<1x1x1x128xf32>
    tpu.vector_store %arg5[%swap3A_195, %swap3A_196, %swap3A_197, %swap3A_198], %swap3A_201 {strides = array<i32>} : memref<1x4x2048x128xf32, #tpu.memory_space<vmem>>, vector<1x1x1x128xf32>,
    %get3A_202 = arith.constant 0 : index
    %get3A_203 = arith.constant 2 : index
    %get3A_204 = arith.constant 3 : index
    %get3A_205 = arith.constant 0 : index
    %get3A_206 = vector.load %arg3[%get3A_202, %get3A_203, %get3A_204, %get3A_205] : memref<1x4x16x128xf32, #tpu.memory_space<vmem>>, vector<1x1x1x128xf32>
    %get3A_207 = vector.shape_cast %get3A_206 : vector<1x1x1x128xf32> to vector<1x128xf32>
    %swap3A_208 = arith.constant 0 : index
    %swap3A_209 = arith.constant 2 : index
    %swap3A_210 = arith.index_cast %get3A_175 : i32 to index
    %swap3A_211 = arith.constant 0 : index
    %swap3A_212 = vector.load %arg5[%swap3A_208, %swap3A_209, %swap3A_210, %swap3A_211] : memref<1x4x2048x128xf32, #tpu.memory_space<vmem>>, vector<1x1x1x128xf32>
    %swap3A_213 = vector.shape_cast %swap3A_212 : vector<1x1x1x128xf32> to vector<1x128xf32>
    %swap3A_214 = vector.shape_cast %get3A_207 : vector<1x128xf32> to vector<1x1x1x128xf32>
    tpu.vector_store %arg5[%swap3A_208, %swap3A_209, %swap3A_210, %swap3A_211], %swap3A_214 {strides = array<i32>} : memref<1x4x2048x128xf32, #tpu.memory_space<vmem>>, vector<1x1x1x128xf32>,
    %get3A_215 = arith.constant 0 : index
    %get3A_216 = arith.constant 3 : index
    %get3A_217 = arith.constant 3 : index
    %get3A_218 = arith.constant 0 : index
    %get3A_219 = vector.load %arg3[%get3A_215, %get3A_216, %get3A_217, %get3A_218] : memref<1x4x16x128xf32, #tpu.memory_space<vmem>>, vector<1x1x1x128xf32>
    %get3A_220 = vector.shape_cast %get3A_219 : vector<1x1x1x128xf32> to vector<1x128xf32>
    %swap3A_221 = arith.constant 0 : index
    %swap3A_222 = arith.constant 3 : index
    %swap3A_223 = arith.index_cast %get3A_175 : i32 to index
    %swap3A_224 = arith.constant 0 : index
    %swap3A_225 = vector.load %arg5[%swap3A_221, %swap3A_222, %swap3A_223, %swap3A_224] : memref<1x4x2048x128xf32, #tpu.memory_space<vmem>>, vector<1x1x1x128xf32>
    %swap3A_226 = vector.shape_cast %swap3A_225 : vector<1x1x1x128xf32> to vector<1x128xf32>
    %swap3A_227 = vector.shape_cast %get3A_220 : vector<1x128xf32> to vector<1x1x1x128xf32>
    tpu.vector_store %arg5[%swap3A_221, %swap3A_222, %swap3A_223, %swap3A_224], %swap3A_227 {strides = array<i32>} : memref<1x4x2048x128xf32, #tpu.memory_space<vmem>>, vector<1x1x1x128xf32>,
    %get3A_228 = arith.index_cast %arg0 : i32 to index
    %get3A_229 = arith.constant 4 : index
    %get3A_230 = memref.load %arg2[%get3A_228, %get3A_229] : memref<8x16xi32, #tpu.memory_space<smem>>
    %get3A_231 = arith.constant 0 : index
    %get3A_232 = arith.constant 0 : index
    %get3A_233 = arith.constant 4 : index
    %get3A_234 = arith.constant 0 : index
    %get3A_235 = vector.load %arg3[%get3A_231, %get3A_232, %get3A_233, %get3A_234] : memref<1x4x16x128xf32, #tpu.memory_space<vmem>>, vector<1x1x1x128xf32>
    %get3A_236 = vector.shape_cast %get3A_235 : vector<1x1x1x128xf32> to vector<1x128xf32>
    %swap3A_237 = arith.constant 0 : index
    %swap3A_238 = arith.constant 0 : index
    %swap3A_239 = arith.index_cast %get3A_230 : i32 to index
    %swap3A_240 = arith.constant 0 : index
    %swap3A_241 = vector.load %arg5[%swap3A_237, %swap3A_238, %swap3A_239, %swap3A_240] : memref<1x4x2048x128xf32, #tpu.memory_space<vmem>>, vector<1x1x1x128xf32>
    %swap3A_242 = vector.shape_cast %swap3A_241 : vector<1x1x1x128xf32> to vector<1x128xf32>
    %swap3A_243 = vector.shape_cast %get3A_236 : vector<1x128xf32> to vector<1x1x1x128xf32>
    tpu.vector_store %arg5[%swap3A_237, %swap3A_238, %swap3A_239, %swap3A_240], %swap3A_243 {strides = array<i32>} : memref<1x4x2048x128xf32, #tpu.memory_space<vmem>>, vector<1x1x1x128xf32>,
    %get3A_244 = arith.constant 0 : index
    %get3A_245 = arith.constant 1 : index
    %get3A_246 = arith.constant 4 : index
    %get3A_247 = arith.constant 0 : index
    %get3A_248 = vector.load %arg3[%get3A_244, %get3A_245, %get3A_246, %get3A_247] : memref<1x4x16x128xf32, #tpu.memory_space<vmem>>, vector<1x1x1x128xf32>
    %get3A_249 = vector.shape_cast %get3A_248 : vector<1x1x1x128xf32> to vector<1x128xf32>
    %swap3A_250 = arith.constant 0 : index
    %swap3A_251 = arith.constant 1 : index
    %swap3A_252 = arith.index_cast %get3A_230 : i32 to index
    %swap3A_253 = arith.constant 0 : index
    %swap3A_254 = vector.load %arg5[%swap3A_250, %swap3A_251, %swap3A_252, %swap3A_253] : memref<1x4x2048x128xf32, #tpu.memory_space<vmem>>, vector<1x1x1x128xf32>
    %swap3A_255 = vector.shape_cast %swap3A_254 : vector<1x1x1x128xf32> to vector<1x128xf32>
    %swap3A_256 = vector.shape_cast %get3A_249 : vector<1x128xf32> to vector<1x1x1x128xf32>
    tpu.vector_store %arg5[%swap3A_250, %swap3A_251, %swap3A_252, %swap3A_253], %swap3A_256 {strides = array<i32>} : memref<1x4x2048x128xf32, #tpu.memory_space<vmem>>, vector<1x1x1x128xf32>,
    %get3A_257 = arith.constant 0 : index
    %get3A_258 = arith.constant 2 : index
    %get3A_259 = arith.constant 4 : index
    %get3A_260 = arith.constant 0 : index
    %get3A_261 = vector.load %arg3[%get3A_257, %get3A_258, %get3A_259, %get3A_260] : memref<1x4x16x128xf32, #tpu.memory_space<vmem>>, vector<1x1x1x128xf32>
    %get3A_262 = vector.shape_cast %get3A_261 : vector<1x1x1x128xf32> to vector<1x128xf32>
    %swap3A_263 = arith.constant 0 : index
    %swap3A_264 = arith.constant 2 : index
    %swap3A_265 = arith.index_cast %get3A_230 : i32 to index
    %swap3A_266 = arith.constant 0 : index
    %swap3A_267 = vector.load %arg5[%swap3A_263, %swap3A_264, %swap3A_265, %swap3A_266] : memref<1x4x2048x128xf32, #tpu.memory_space<vmem>>, vector<1x1x1x128xf32>
    %swap3A_268 = vector.shape_cast %swap3A_267 : vector<1x1x1x128xf32> to vector<1x128xf32>
    %swap3A_269 = vector.shape_cast %get3A_262 : vector<1x128xf32> to vector<1x1x1x128xf32>
    tpu.vector_store %arg5[%swap3A_263, %swap3A_264, %swap3A_265, %swap3A_266], %swap3A_269 {strides = array<i32>} : memref<1x4x2048x128xf32, #tpu.memory_space<vmem>>, vector<1x1x1x128xf32>,
    %get3A_270 = arith.constant 0 : index
    %get3A_271 = arith.constant 3 : index
    %get3A_272 = arith.constant 4 : index
    %get3A_273 = arith.constant 0 : index
    %get3A_274 = vector.load %arg3[%get3A_270, %get3A_271, %get3A_272, %get3A_273] : memref<1x4x16x128xf32, #tpu.memory_space<vmem>>, vector<1x1x1x128xf32>
    %get3A_275 = vector.shape_cast %get3A_274 : vector<1x1x1x128xf32> to vector<1x128xf32>
    %swap3A_276 = arith.constant 0 : index
    %swap3A_277 = arith.constant 3 : index
    %swap3A_278 = arith.index_cast %get3A_230 : i32 to index
    %swap3A_279 = arith.constant 0 : index
    %swap3A_280 = vector.load %arg5[%swap3A_276, %swap3A_277, %swap3A_278, %swap3A_279] : memref<1x4x2048x128xf32, #tpu.memory_space<vmem>>, vector<1x1x1x128xf32>
    %swap3A_281 = vector.shape_cast %swap3A_280 : vector<1x1x1x128xf32> to vector<1x128xf32>
    %swap3A_282 = vector.shape_cast %get3A_275 : vector<1x128xf32> to vector<1x1x1x128xf32>
    tpu.vector_store %arg5[%swap3A_276, %swap3A_277, %swap3A_278, %swap3A_279], %swap3A_282 {strides = array<i32>} : memref<1x4x2048x128xf32, #tpu.memory_space<vmem>>, vector<1x1x1x128xf32>,
    %get3A_283 = arith.index_cast %arg0 : i32 to index
    %get3A_284 = arith.constant 5 : index
    %get3A_285 = memref.load %arg2[%get3A_283, %get3A_284] : memref<8x16xi32, #tpu.memory_space<smem>>
    %get3A_286 = arith.constant 0 : index
    %get3A_287 = arith.constant 0 : index
    %get3A_288 = arith.constant 5 : index
    %get3A_289 = arith.constant 0 : index
    %get3A_290 = vector.load %arg3[%get3A_286, %get3A_287, %get3A_288, %get3A_289] : memref<1x4x16x128xf32, #tpu.memory_space<vmem>>, vector<1x1x1x128xf32>
    %get3A_291 = vector.shape_cast %get3A_290 : vector<1x1x1x128xf32> to vector<1x128xf32>
    %swap3A_292 = arith.constant 0 : index
    %swap3A_293 = arith.constant 0 : index
    %swap3A_294 = arith.index_cast %get3A_285 : i32 to index
    %swap3A_295 = arith.constant 0 : index
    %swap3A_296 = vector.load %arg5[%swap3A_292, %swap3A_293, %swap3A_294, %swap3A_295] : memref<1x4x2048x128xf32, #tpu.memory_space<vmem>>, vector<1x1x1x128xf32>
    %swap3A_297 = vector.shape_cast %swap3A_296 : vector<1x1x1x128xf32> to vector<1x128xf32>
    %swap3A_298 = vector.shape_cast %get3A_291 : vector<1x128xf32> to vector<1x1x1x128xf32>
    tpu.vector_store %arg5[%swap3A_292, %swap3A_293, %swap3A_294, %swap3A_295], %swap3A_298 {strides = array<i32>} : memref<1x4x2048x128xf32, #tpu.memory_space<vmem>>, vector<1x1x1x128xf32>,
    %get3A_299 = arith.constant 0 : index
    %get3A_300 = arith.constant 1 : index
    %get3A_301 = arith.constant 5 : index
    %get3A_302 = arith.constant 0 : index
    %get3A_303 = vector.load %arg3[%get3A_299, %get3A_300, %get3A_301, %get3A_302] : memref<1x4x16x128xf32, #tpu.memory_space<vmem>>, vector<1x1x1x128xf32>
    %get3A_304 = vector.shape_cast %get3A_303 : vector<1x1x1x128xf32> to vector<1x128xf32>
    %swap3A_305 = arith.constant 0 : index
    %swap3A_306 = arith.constant 1 : index
    %swap3A_307 = arith.index_cast %get3A_285 : i32 to index
    %swap3A_308 = arith.constant 0 : index
    %swap3A_309 = vector.load %arg5[%swap3A_305, %swap3A_306, %swap3A_307, %swap3A_308] : memref<1x4x2048x128xf32, #tpu.memory_space<vmem>>, vector<1x1x1x128xf32>
    %swap3A_310 = vector.shape_cast %swap3A_309 : vector<1x1x1x128xf32> to vector<1x128xf32>
    %swap3A_311 = vector.shape_cast %get3A_304 : vector<1x128xf32> to vector<1x1x1x128xf32>
    tpu.vector_store %arg5[%swap3A_305, %swap3A_306, %swap3A_307, %swap3A_308], %swap3A_311 {strides = array<i32>} : memref<1x4x2048x128xf32, #tpu.memory_space<vmem>>, vector<1x1x1x128xf32>,
    %get3A_312 = arith.constant 0 : index
    %get3A_313 = arith.constant 2 : index
    %get3A_314 = arith.constant 5 : index
    %get3A_315 = arith.constant 0 : index
    %get3A_316 = vector.load %arg3[%get3A_312, %get3A_313, %get3A_314, %get3A_315] : memref<1x4x16x128xf32, #tpu.memory_space<vmem>>, vector<1x1x1x128xf32>
    %get3A_317 = vector.shape_cast %get3A_316 : vector<1x1x1x128xf32> to vector<1x128xf32>
    %swap3A_318 = arith.constant 0 : index
    %swap3A_319 = arith.constant 2 : index
    %swap3A_320 = arith.index_cast %get3A_285 : i32 to index
    %swap3A_321 = arith.constant 0 : index
    %swap3A_322 = vector.load %arg5[%swap3A_318, %swap3A_319, %swap3A_320, %swap3A_321] : memref<1x4x2048x128xf32, #tpu.memory_space<vmem>>, vector<1x1x1x128xf32>
    %swap3A_323 = vector.shape_cast %swap3A_322 : vector<1x1x1x128xf32> to vector<1x128xf32>
    %swap3A_324 = vector.shape_cast %get3A_317 : vector<1x128xf32> to vector<1x1x1x128xf32>
    tpu.vector_store %arg5[%swap3A_318, %swap3A_319, %swap3A_320, %swap3A_321], %swap3A_324 {strides = array<i32>} : memref<1x4x2048x128xf32, #tpu.memory_space<vmem>>, vector<1x1x1x128xf32>,
    %get3A_325 = arith.constant 0 : index
    %get3A_326 = arith.constant 3 : index
    %get3A_327 = arith.constant 5 : index
    %get3A_328 = arith.constant 0 : index
    %get3A_329 = vector.load %arg3[%get3A_325, %get3A_326, %get3A_327, %get3A_328] : memref<1x4x16x128xf32, #tpu.memory_space<vmem>>, vector<1x1x1x128xf32>
    %get3A_330 = vector.shape_cast %get3A_329 : vector<1x1x1x128xf32> to vector<1x128xf32>
    %swap3A_331 = arith.constant 0 : index
    %swap3A_332 = arith.constant 3 : index
    %swap3A_333 = arith.index_cast %get3A_285 : i32 to index
    %swap3A_334 = arith.constant 0 : index
    %swap3A_335 = vector.load %arg5[%swap3A_331, %swap3A_332, %swap3A_333, %swap3A_334] : memref<1x4x2048x128xf32, #tpu.memory_space<vmem>>, vector<1x1x1x128xf32>
    %swap3A_336 = vector.shape_cast %swap3A_335 : vector<1x1x1x128xf32> to vector<1x128xf32>
    %swap3A_337 = vector.shape_cast %get3A_330 : vector<1x128xf32> to vector<1x1x1x128xf32>
    tpu.vector_store %arg5[%swap3A_331, %swap3A_332, %swap3A_333, %swap3A_334], %swap3A_337 {strides = array<i32>} : memref<1x4x2048x128xf32, #tpu.memory_space<vmem>>, vector<1x1x1x128xf32>,
    %get3A_338 = arith.index_cast %arg0 : i32 to index
    %get3A_339 = arith.constant 6 : index
    %get3A_340 = memref.load %arg2[%get3A_338, %get3A_339] : memref<8x16xi32, #tpu.memory_space<smem>>
    %get3A_341 = arith.constant 0 : index
    %get3A_342 = arith.constant 0 : index
    %get3A_343 = arith.constant 6 : index
    %get3A_344 = arith.constant 0 : index
    %get3A_345 = vector.load %arg3[%get3A_341, %get3A_342, %get3A_343, %get3A_344] : memref<1x4x16x128xf32, #tpu.memory_space<vmem>>, vector<1x1x1x128xf32>
    %get3A_346 = vector.shape_cast %get3A_345 : vector<1x1x1x128xf32> to vector<1x128xf32>
    %swap3A_347 = arith.constant 0 : index
    %swap3A_348 = arith.constant 0 : index
    %swap3A_349 = arith.index_cast %get3A_340 : i32 to index
    %swap3A_350 = arith.constant 0 : index
    %swap3A_351 = vector.load %arg5[%swap3A_347, %swap3A_348, %swap3A_349, %swap3A_350] : memref<1x4x2048x128xf32, #tpu.memory_space<vmem>>, vector<1x1x1x128xf32>
    %swap3A_352 = vector.shape_cast %swap3A_351 : vector<1x1x1x128xf32> to vector<1x128xf32>
    %swap3A_353 = vector.shape_cast %get3A_346 : vector<1x128xf32> to vector<1x1x1x128xf32>
    tpu.vector_store %arg5[%swap3A_347, %swap3A_348, %swap3A_349, %swap3A_350], %swap3A_353 {strides = array<i32>} : memref<1x4x2048x128xf32, #tpu.memory_space<vmem>>, vector<1x1x1x128xf32>,
    %get3A_354 = arith.constant 0 : index
    %get3A_355 = arith.constant 1 : index
    %get3A_356 = arith.constant 6 : index
    %get3A_357 = arith.constant 0 : index
    %get3A_358 = vector.load %arg3[%get3A_354, %get3A_355, %get3A_356, %get3A_357] : memref<1x4x16x128xf32, #tpu.memory_space<vmem>>, vector<1x1x1x128xf32>
    %get3A_359 = vector.shape_cast %get3A_358 : vector<1x1x1x128xf32> to vector<1x128xf32>
    %swap3A_360 = arith.constant 0 : index
    %swap3A_361 = arith.constant 1 : index
    %swap3A_362 = arith.index_cast %get3A_340 : i32 to index
    %swap3A_363 = arith.constant 0 : index
    %swap3A_364 = vector.load %arg5[%swap3A_360, %swap3A_361, %swap3A_362, %swap3A_363] : memref<1x4x2048x128xf32, #tpu.memory_space<vmem>>, vector<1x1x1x128xf32>
    %swap3A_365 = vector.shape_cast %swap3A_364 : vector<1x1x1x128xf32> to vector<1x128xf32>
    %swap3A_366 = vector.shape_cast %get3A_359 : vector<1x128xf32> to vector<1x1x1x128xf32>
    tpu.vector_store %arg5[%swap3A_360, %swap3A_361, %swap3A_362, %swap3A_363], %swap3A_366 {strides = array<i32>} : memref<1x4x2048x128xf32, #tpu.memory_space<vmem>>, vector<1x1x1x128xf32>,
    %get3A_367 = arith.constant 0 : index
    %get3A_368 = arith.constant 2 : index
    %get3A_369 = arith.constant 6 : index
    %get3A_370 = arith.constant 0 : index
    %get3A_371 = vector.load %arg3[%get3A_367, %get3A_368, %get3A_369, %get3A_370] : memref<1x4x16x128xf32, #tpu.memory_space<vmem>>, vector<1x1x1x128xf32>
    %get3A_372 = vector.shape_cast %get3A_371 : vector<1x1x1x128xf32> to vector<1x128xf32>
    %swap3A_373 = arith.constant 0 : index
    %swap3A_374 = arith.constant 2 : index
    %swap3A_375 = arith.index_cast %get3A_340 : i32 to index
    %swap3A_376 = arith.constant 0 : index
    %swap3A_377 = vector.load %arg5[%swap3A_373, %swap3A_374, %swap3A_375, %swap3A_376] : memref<1x4x2048x128xf32, #tpu.memory_space<vmem>>, vector<1x1x1x128xf32>
    %swap3A_378 = vector.shape_cast %swap3A_377 : vector<1x1x1x128xf32> to vector<1x128xf32>
    %swap3A_379 = vector.shape_cast %get3A_372 : vector<1x128xf32> to vector<1x1x1x128xf32>
    tpu.vector_store %arg5[%swap3A_373, %swap3A_374, %swap3A_375, %swap3A_376], %swap3A_379 {strides = array<i32>} : memref<1x4x2048x128xf32, #tpu.memory_space<vmem>>, vector<1x1x1x128xf32>,
    %get3A_380 = arith.constant 0 : index
    %get3A_381 = arith.constant 3 : index
    %get3A_382 = arith.constant 6 : index
    %get3A_383 = arith.constant 0 : index
    %get3A_384 = vector.load %arg3[%get3A_380, %get3A_381, %get3A_382, %get3A_383] : memref<1x4x16x128xf32, #tpu.memory_space<vmem>>, vector<1x1x1x128xf32>
    %get3A_385 = vector.shape_cast %get3A_384 : vector<1x1x1x128xf32> to vector<1x128xf32>
    %swap3A_386 = arith.constant 0 : index
    %swap3A_387 = arith.constant 3 : index
    %swap3A_388 = arith.index_cast %get3A_340 : i32 to index
    %swap3A_389 = arith.constant 0 : index
    %swap3A_390 = vector.load %arg5[%swap3A_386, %swap3A_387, %swap3A_388, %swap3A_389] : memref<1x4x2048x128xf32, #tpu.memory_space<vmem>>, vector<1x1x1x128xf32>
    %swap3A_391 = vector.shape_cast %swap3A_390 : vector<1x1x1x128xf32> to vector<1x128xf32>
    %swap3A_392 = vector.shape_cast %get3A_385 : vector<1x128xf32> to vector<1x1x1x128xf32>
    tpu.vector_store %arg5[%swap3A_386, %swap3A_387, %swap3A_388, %swap3A_389], %swap3A_392 {strides = array<i32>} : memref<1x4x2048x128xf32, #tpu.memory_space<vmem>>, vector<1x1x1x128xf32>,
    %get3A_393 = arith.index_cast %arg0 : i32 to index
    %get3A_394 = arith.constant 7 : index
    %get3A_395 = memref.load %arg2[%get3A_393, %get3A_394] : memref<8x16xi32, #tpu.memory_space<smem>>
    %get3A_396 = arith.constant 0 : index
    %get3A_397 = arith.constant 0 : index
    %get3A_398 = arith.constant 7 : index
    %get3A_399 = arith.constant 0 : index
    %get3A_400 = vector.load %arg3[%get3A_396, %get3A_397, %get3A_398, %get3A_399] : memref<1x4x16x128xf32, #tpu.memory_space<vmem>>, vector<1x1x1x128xf32>
    %get3A_401 = vector.shape_cast %get3A_400 : vector<1x1x1x128xf32> to vector<1x128xf32>
    %swap3A_402 = arith.constant 0 : index
    %swap3A_403 = arith.constant 0 : index
    %swap3A_404 = arith.index_cast %get3A_395 : i32 to index
    %swap3A_405 = arith.constant 0 : index
    %swap3A_406 = vector.load %arg5[%swap3A_402, %swap3A_403, %swap3A_404, %swap3A_405] : memref<1x4x2048x128xf32, #tpu.memory_space<vmem>>, vector<1x1x1x128xf32>
    %swap3A_407 = vector.shape_cast %swap3A_406 : vector<1x1x1x128xf32> to vector<1x128xf32>
    %swap3A_408 = vector.shape_cast %get3A_401 : vector<1x128xf32> to vector<1x1x1x128xf32>
    tpu.vector_store %arg5[%swap3A_402, %swap3A_403, %swap3A_404, %swap3A_405], %swap3A_408 {strides = array<i32>} : memref<1x4x2048x128xf32, #tpu.memory_space<vmem>>, vector<1x1x1x128xf32>,
    %get3A_409 = arith.constant 0 : index
    %get3A_410 = arith.constant 1 : index
    %get3A_411 = arith.constant 7 : index
    %get3A_412 = arith.constant 0 : index
    %get3A_413 = vector.load %arg3[%get3A_409, %get3A_410, %get3A_411, %get3A_412] : memref<1x4x16x128xf32, #tpu.memory_space<vmem>>, vector<1x1x1x128xf32>
    %get3A_414 = vector.shape_cast %get3A_413 : vector<1x1x1x128xf32> to vector<1x128xf32>
    %swap3A_415 = arith.constant 0 : index
    %swap3A_416 = arith.constant 1 : index
    %swap3A_417 = arith.index_cast %get3A_395 : i32 to index
    %swap3A_418 = arith.constant 0 : index
    %swap3A_419 = vector.load %arg5[%swap3A_415, %swap3A_416, %swap3A_417, %swap3A_418] : memref<1x4x2048x128xf32, #tpu.memory_space<vmem>>, vector<1x1x1x128xf32>
    %swap3A_420 = vector.shape_cast %swap3A_419 : vector<1x1x1x128xf32> to vector<1x128xf32>
    %swap3A_421 = vector.shape_cast %get3A_414 : vector<1x128xf32> to vector<1x1x1x128xf32>
    tpu.vector_store %arg5[%swap3A_415, %swap3A_416, %swap3A_417, %swap3A_418], %swap3A_421 {strides = array<i32>} : memref<1x4x2048x128xf32, #tpu.memory_space<vmem>>, vector<1x1x1x128xf32>,
    %get3A_422 = arith.constant 0 : index
    %get3A_423 = arith.constant 2 : index
    %get3A_424 = arith.constant 7 : index
    %get3A_425 = arith.constant 0 : index
    %get3A_426 = vector.load %arg3[%get3A_422, %get3A_423, %get3A_424, %get3A_425] : memref<1x4x16x128xf32, #tpu.memory_space<vmem>>, vector<1x1x1x128xf32>
    %get3A_427 = vector.shape_cast %get3A_426 : vector<1x1x1x128xf32> to vector<1x128xf32>
    %swap3A_428 = arith.constant 0 : index
    %swap3A_429 = arith.constant 2 : index
    %swap3A_430 = arith.index_cast %get3A_395 : i32 to index
    %swap3A_431 = arith.constant 0 : index
    %swap3A_432 = vector.load %arg5[%swap3A_428, %swap3A_429, %swap3A_430, %swap3A_431] : memref<1x4x2048x128xf32, #tpu.memory_space<vmem>>, vector<1x1x1x128xf32>
    %swap3A_433 = vector.shape_cast %swap3A_432 : vector<1x1x1x128xf32> to vector<1x128xf32>
    %swap3A_434 = vector.shape_cast %get3A_427 : vector<1x128xf32> to vector<1x1x1x128xf32>
    tpu.vector_store %arg5[%swap3A_428, %swap3A_429, %swap3A_430, %swap3A_431], %swap3A_434 {strides = array<i32>} : memref<1x4x2048x128xf32, #tpu.memory_space<vmem>>, vector<1x1x1x128xf32>,
    %get3A_435 = arith.constant 0 : index
    %get3A_436 = arith.constant 3 : index
    %get3A_437 = arith.constant 7 : index
    %get3A_438 = arith.constant 0 : index
    %get3A_439 = vector.load %arg3[%get3A_435, %get3A_436, %get3A_437, %get3A_438] : memref<1x4x16x128xf32, #tpu.memory_space<vmem>>, vector<1x1x1x128xf32>
    %get3A_440 = vector.shape_cast %get3A_439 : vector<1x1x1x128xf32> to vector<1x128xf32>
    %swap3A_441 = arith.constant 0 : index
    %swap3A_442 = arith.constant 3 : index
    %swap3A_443 = arith.index_cast %get3A_395 : i32 to index
    %swap3A_444 = arith.constant 0 : index
    %swap3A_445 = vector.load %arg5[%swap3A_441, %swap3A_442, %swap3A_443, %swap3A_444] : memref<1x4x2048x128xf32, #tpu.memory_space<vmem>>, vector<1x1x1x128xf32>
    %swap3A_446 = vector.shape_cast %swap3A_445 : vector<1x1x1x128xf32> to vector<1x128xf32>
    %swap3A_447 = vector.shape_cast %get3A_440 : vector<1x128xf32> to vector<1x1x1x128xf32>
    tpu.vector_store %arg5[%swap3A_441, %swap3A_442, %swap3A_443, %swap3A_444], %swap3A_447 {strides = array<i32>} : memref<1x4x2048x128xf32, #tpu.memory_space<vmem>>, vector<1x1x1x128xf32>,
    %get3A_448 = arith.index_cast %arg0 : i32 to index
    %get3A_449 = arith.constant 8 : index
    %get3A_450 = memref.load %arg2[%get3A_448, %get3A_449] : memref<8x16xi32, #tpu.memory_space<smem>>
    %get3A_451 = arith.constant 0 : index
    %get3A_452 = arith.constant 0 : index
    %get3A_453 = arith.constant 8 : index
    %get3A_454 = arith.constant 0 : index
    %get3A_455 = vector.load %arg3[%get3A_451, %get3A_452, %get3A_453, %get3A_454] : memref<1x4x16x128xf32, #tpu.memory_space<vmem>>, vector<1x1x1x128xf32>
    %get3A_456 = vector.shape_cast %get3A_455 : vector<1x1x1x128xf32> to vector<1x128xf32>
    %swap3A_457 = arith.constant 0 : index
    %swap3A_458 = arith.constant 0 : index
    %swap3A_459 = arith.index_cast %get3A_450 : i32 to index
    %swap3A_460 = arith.constant 0 : index
    %swap3A_461 = vector.load %arg5[%swap3A_457, %swap3A_458, %swap3A_459, %swap3A_460] : memref<1x4x2048x128xf32, #tpu.memory_space<vmem>>, vector<1x1x1x128xf32>
    %swap3A_462 = vector.shape_cast %swap3A_461 : vector<1x1x1x128xf32> to vector<1x128xf32>
    %swap3A_463 = vector.shape_cast %get3A_456 : vector<1x128xf32> to vector<1x1x1x128xf32>
    tpu.vector_store %arg5[%swap3A_457, %swap3A_458, %swap3A_459, %swap3A_460], %swap3A_463 {strides = array<i32>} : memref<1x4x2048x128xf32, #tpu.memory_space<vmem>>, vector<1x1x1x128xf32>,
    %get3A_464 = arith.constant 0 : index
    %get3A_465 = arith.constant 1 : index
    %get3A_466 = arith.constant 8 : index
    %get3A_467 = arith.constant 0 : index
    %get3A_468 = vector.load %arg3[%get3A_464, %get3A_465, %get3A_466, %get3A_467] : memref<1x4x16x128xf32, #tpu.memory_space<vmem>>, vector<1x1x1x128xf32>
    %get3A_469 = vector.shape_cast %get3A_468 : vector<1x1x1x128xf32> to vector<1x128xf32>
    %swap3A_470 = arith.constant 0 : index
    %swap3A_471 = arith.constant 1 : index
    %swap3A_472 = arith.index_cast %get3A_450 : i32 to index
    %swap3A_473 = arith.constant 0 : index
    %swap3A_474 = vector.load %arg5[%swap3A_470, %swap3A_471, %swap3A_472, %swap3A_473] : memref<1x4x2048x128xf32, #tpu.memory_space<vmem>>, vector<1x1x1x128xf32>
    %swap3A_475 = vector.shape_cast %swap3A_474 : vector<1x1x1x128xf32> to vector<1x128xf32>
    %swap3A_476 = vector.shape_cast %get3A_469 : vector<1x128xf32> to vector<1x1x1x128xf32>
    tpu.vector_store %arg5[%swap3A_470, %swap3A_471, %swap3A_472, %swap3A_473], %swap3A_476 {strides = array<i32>} : memref<1x4x2048x128xf32, #tpu.memory_space<vmem>>, vector<1x1x1x128xf32>,
    %get3A_477 = arith.constant 0 : index
    %get3A_478 = arith.constant 2 : index
    %get3A_479 = arith.constant 8 : index
    %get3A_480 = arith.constant 0 : index
    %get3A_481 = vector.load %arg3[%get3A_477, %get3A_478, %get3A_479, %get3A_480] : memref<1x4x16x128xf32, #tpu.memory_space<vmem>>, vector<1x1x1x128xf32>
    %get3A_482 = vector.shape_cast %get3A_481 : vector<1x1x1x128xf32> to vector<1x128xf32>
    %swap3A_483 = arith.constant 0 : index
    %swap3A_484 = arith.constant 2 : index
    %swap3A_485 = arith.index_cast %get3A_450 : i32 to index
    %swap3A_486 = arith.constant 0 : index
    %swap3A_487 = vector.load %arg5[%swap3A_483, %swap3A_484, %swap3A_485, %swap3A_486] : memref<1x4x2048x128xf32, #tpu.memory_space<vmem>>, vector<1x1x1x128xf32>
    %swap3A_488 = vector.shape_cast %swap3A_487 : vector<1x1x1x128xf32> to vector<1x128xf32>
    %swap3A_489 = vector.shape_cast %get3A_482 : vector<1x128xf32> to vector<1x1x1x128xf32>
    tpu.vector_store %arg5[%swap3A_483, %swap3A_484, %swap3A_485, %swap3A_486], %swap3A_489 {strides = array<i32>} : memref<1x4x2048x128xf32, #tpu.memory_space<vmem>>, vector<1x1x1x128xf32>,
    %get3A_490 = arith.constant 0 : index
    %get3A_491 = arith.constant 3 : index
    %get3A_492 = arith.constant 8 : index
    %get3A_493 = arith.constant 0 : index
    %get3A_494 = vector.load %arg3[%get3A_490, %get3A_491, %get3A_492, %get3A_493] : memref<1x4x16x128xf32, #tpu.memory_space<vmem>>, vector<1x1x1x128xf32>
    %get3A_495 = vector.shape_cast %get3A_494 : vector<1x1x1x128xf32> to vector<1x128xf32>
    %swap3A_496 = arith.constant 0 : index
    %swap3A_497 = arith.constant 3 : index
    %swap3A_498 = arith.index_cast %get3A_450 : i32 to index
    %swap3A_499 = arith.constant 0 : index
    %swap3A_500 = vector.load %arg5[%swap3A_496, %swap3A_497, %swap3A_498, %swap3A_499] : memref<1x4x2048x128xf32, #tpu.memory_space<vmem>>, vector<1x1x1x128xf32>
    %swap3A_501 = vector.shape_cast %swap3A_500 : vector<1x1x1x128xf32> to vector<1x128xf32>
    %swap3A_502 = vector.shape_cast %get3A_495 : vector<1x128xf32> to vector<1x1x1x128xf32>
    tpu.vector_store %arg5[%swap3A_496, %swap3A_497, %swap3A_498, %swap3A_499], %swap3A_502 {strides = array<i32>} : memref<1x4x2048x128xf32, #tpu.memory_space<vmem>>, vector<1x1x1x128xf32>,
    %get3A_503 = arith.index_cast %arg0 : i32 to index
    %get3A_504 = arith.constant 9 : index
    %get3A_505 = memref.load %arg2[%get3A_503, %get3A_504] : memref<8x16xi32, #tpu.memory_space<smem>>
    %get3A_506 = arith.constant 0 : index
    %get3A_507 = arith.constant 0 : index
    %get3A_508 = arith.constant 9 : index
    %get3A_509 = arith.constant 0 : index
    %get3A_510 = vector.load %arg3[%get3A_506, %get3A_507, %get3A_508, %get3A_509] : memref<1x4x16x128xf32, #tpu.memory_space<vmem>>, vector<1x1x1x128xf32>
    %get3A_511 = vector.shape_cast %get3A_510 : vector<1x1x1x128xf32> to vector<1x128xf32>
    %swap3A_512 = arith.constant 0 : index
    %swap3A_513 = arith.constant 0 : index
    %swap3A_514 = arith.index_cast %get3A_505 : i32 to index
    %swap3A_515 = arith.constant 0 : index
    %swap3A_516 = vector.load %arg5[%swap3A_512, %swap3A_513, %swap3A_514, %swap3A_515] : memref<1x4x2048x128xf32, #tpu.memory_space<vmem>>, vector<1x1x1x128xf32>
    %swap3A_517 = vector.shape_cast %swap3A_516 : vector<1x1x1x128xf32> to vector<1x128xf32>
    %swap3A_518 = vector.shape_cast %get3A_511 : vector<1x128xf32> to vector<1x1x1x128xf32>
    tpu.vector_store %arg5[%swap3A_512, %swap3A_513, %swap3A_514, %swap3A_515], %swap3A_518 {strides = array<i32>} : memref<1x4x2048x128xf32, #tpu.memory_space<vmem>>, vector<1x1x1x128xf32>,
    %get3A_519 = arith.constant 0 : index
    %get3A_520 = arith.constant 1 : index
    %get3A_521 = arith.constant 9 : index
    %get3A_522 = arith.constant 0 : index
    %get3A_523 = vector.load %arg3[%get3A_519, %get3A_520, %get3A_521, %get3A_522] : memref<1x4x16x128xf32, #tpu.memory_space<vmem>>, vector<1x1x1x128xf32>
    %get3A_524 = vector.shape_cast %get3A_523 : vector<1x1x1x128xf32> to vector<1x128xf32>
    %swap3A_525 = arith.constant 0 : index
    %swap3A_526 = arith.constant 1 : index
    %swap3A_527 = arith.index_cast %get3A_505 : i32 to index
    %swap3A_528 = arith.constant 0 : index
    %swap3A_529 = vector.load %arg5[%swap3A_525, %swap3A_526, %swap3A_527, %swap3A_528] : memref<1x4x2048x128xf32, #tpu.memory_space<vmem>>, vector<1x1x1x128xf32>
    %swap3A_530 = vector.shape_cast %swap3A_529 : vector<1x1x1x128xf32> to vector<1x128xf32>
    %swap3A_531 = vector.shape_cast %get3A_524 : vector<1x128xf32> to vector<1x1x1x128xf32>
    tpu.vector_store %arg5[%swap3A_525, %swap3A_526, %swap3A_527, %swap3A_528], %swap3A_531 {strides = array<i32>} : memref<1x4x2048x128xf32, #tpu.memory_space<vmem>>, vector<1x1x1x128xf32>,
    %get3A_532 = arith.constant 0 : index
    %get3A_533 = arith.constant 2 : index
    %get3A_534 = arith.constant 9 : index
    %get3A_535 = arith.constant 0 : index
    %get3A_536 = vector.load %arg3[%get3A_532, %get3A_533, %get3A_534, %get3A_535] : memref<1x4x16x128xf32, #tpu.memory_space<vmem>>, vector<1x1x1x128xf32>
    %get3A_537 = vector.shape_cast %get3A_536 : vector<1x1x1x128xf32> to vector<1x128xf32>
    %swap3A_538 = arith.constant 0 : index
    %swap3A_539 = arith.constant 2 : index
    %swap3A_540 = arith.index_cast %get3A_505 : i32 to index
    %swap3A_541 = arith.constant 0 : index
    %swap3A_542 = vector.load %arg5[%swap3A_538, %swap3A_539, %swap3A_540, %swap3A_541] : memref<1x4x2048x128xf32, #tpu.memory_space<vmem>>, vector<1x1x1x128xf32>
    %swap3A_543 = vector.shape_cast %swap3A_542 : vector<1x1x1x128xf32> to vector<1x128xf32>
    %swap3A_544 = vector.shape_cast %get3A_537 : vector<1x128xf32> to vector<1x1x1x128xf32>
    tpu.vector_store %arg5[%swap3A_538, %swap3A_539, %swap3A_540, %swap3A_541], %swap3A_544 {strides = array<i32>} : memref<1x4x2048x128xf32, #tpu.memory_space<vmem>>, vector<1x1x1x128xf32>,
    %get3A_545 = arith.constant 0 : index
    %get3A_546 = arith.constant 3 : index
    %get3A_547 = arith.constant 9 : index
    %get3A_548 = arith.constant 0 : index
    %get3A_549 = vector.load %arg3[%get3A_545, %get3A_546, %get3A_547, %get3A_548] : memref<1x4x16x128xf32, #tpu.memory_space<vmem>>, vector<1x1x1x128xf32>
    %get3A_550 = vector.shape_cast %get3A_549 : vector<1x1x1x128xf32> to vector<1x128xf32>
    %swap3A_551 = arith.constant 0 : index
    %swap3A_552 = arith.constant 3 : index
    %swap3A_553 = arith.index_cast %get3A_505 : i32 to index
    %swap3A_554 = arith.constant 0 : index
    %swap3A_555 = vector.load %arg5[%swap3A_551, %swap3A_552, %swap3A_553, %swap3A_554] : memref<1x4x2048x128xf32, #tpu.memory_space<vmem>>, vector<1x1x1x128xf32>
    %swap3A_556 = vector.shape_cast %swap3A_555 : vector<1x1x1x128xf32> to vector<1x128xf32>
    %swap3A_557 = vector.shape_cast %get3A_550 : vector<1x128xf32> to vector<1x1x1x128xf32>
    tpu.vector_store %arg5[%swap3A_551, %swap3A_552, %swap3A_553, %swap3A_554], %swap3A_557 {strides = array<i32>} : memref<1x4x2048x128xf32, #tpu.memory_space<vmem>>, vector<1x1x1x128xf32>,
    %get3A_558 = arith.index_cast %arg0 : i32 to index
    %get3A_559 = arith.constant 10 : index
    %get3A_560 = memref.load %arg2[%get3A_558, %get3A_559] : memref<8x16xi32, #tpu.memory_space<smem>>
    %get3A_561 = arith.constant 0 : index
    %get3A_562 = arith.constant 0 : index
    %get3A_563 = arith.constant 10 : index
    %get3A_564 = arith.constant 0 : index
    %get3A_565 = vector.load %arg3[%get3A_561, %get3A_562, %get3A_563, %get3A_564] : memref<1x4x16x128xf32, #tpu.memory_space<vmem>>, vector<1x1x1x128xf32>
    %get3A_566 = vector.shape_cast %get3A_565 : vector<1x1x1x128xf32> to vector<1x128xf32>
    %swap3A_567 = arith.constant 0 : index
    %swap3A_568 = arith.constant 0 : index
    %swap3A_569 = arith.index_cast %get3A_560 : i32 to index
    %swap3A_570 = arith.constant 0 : index
    %swap3A_571 = vector.load %arg5[%swap3A_567, %swap3A_568, %swap3A_569, %swap3A_570] : memref<1x4x2048x128xf32, #tpu.memory_space<vmem>>, vector<1x1x1x128xf32>
    %swap3A_572 = vector.shape_cast %swap3A_571 : vector<1x1x1x128xf32> to vector<1x128xf32>
    %swap3A_573 = vector.shape_cast %get3A_566 : vector<1x128xf32> to vector<1x1x1x128xf32>
    tpu.vector_store %arg5[%swap3A_567, %swap3A_568, %swap3A_569, %swap3A_570], %swap3A_573 {strides = array<i32>} : memref<1x4x2048x128xf32, #tpu.memory_space<vmem>>, vector<1x1x1x128xf32>,
    %get3A_574 = arith.constant 0 : index
    %get3A_575 = arith.constant 1 : index
    %get3A_576 = arith.constant 10 : index
    %get3A_577 = arith.constant 0 : index
    %get3A_578 = vector.load %arg3[%get3A_574, %get3A_575, %get3A_576, %get3A_577] : memref<1x4x16x128xf32, #tpu.memory_space<vmem>>, vector<1x1x1x128xf32>
    %get3A_579 = vector.shape_cast %get3A_578 : vector<1x1x1x128xf32> to vector<1x128xf32>
    %swap3A_580 = arith.constant 0 : index
    %swap3A_581 = arith.constant 1 : index
    %swap3A_582 = arith.index_cast %get3A_560 : i32 to index
    %swap3A_583 = arith.constant 0 : index
    %swap3A_584 = vector.load %arg5[%swap3A_580, %swap3A_581, %swap3A_582, %swap3A_583] : memref<1x4x2048x128xf32, #tpu.memory_space<vmem>>, vector<1x1x1x128xf32>
    %swap3A_585 = vector.shape_cast %swap3A_584 : vector<1x1x1x128xf32> to vector<1x128xf32>
    %swap3A_586 = vector.shape_cast %get3A_579 : vector<1x128xf32> to vector<1x1x1x128xf32>
    tpu.vector_store %arg5[%swap3A_580, %swap3A_581, %swap3A_582, %swap3A_583], %swap3A_586 {strides = array<i32>} : memref<1x4x2048x128xf32, #tpu.memory_space<vmem>>, vector<1x1x1x128xf32>,
    %get3A_587 = arith.constant 0 : index
    %get3A_588 = arith.constant 2 : index
    %get3A_589 = arith.constant 10 : index
    %get3A_590 = arith.constant 0 : index
    %get3A_591 = vector.load %arg3[%get3A_587, %get3A_588, %get3A_589, %get3A_590] : memref<1x4x16x128xf32, #tpu.memory_space<vmem>>, vector<1x1x1x128xf32>
    %get3A_592 = vector.shape_cast %get3A_591 : vector<1x1x1x128xf32> to vector<1x128xf32>
    %swap3A_593 = arith.constant 0 : index
    %swap3A_594 = arith.constant 2 : index
    %swap3A_595 = arith.index_cast %get3A_560 : i32 to index
    %swap3A_596 = arith.constant 0 : index
    %swap3A_597 = vector.load %arg5[%swap3A_593, %swap3A_594, %swap3A_595, %swap3A_596] : memref<1x4x2048x128xf32, #tpu.memory_space<vmem>>, vector<1x1x1x128xf32>
    %swap3A_598 = vector.shape_cast %swap3A_597 : vector<1x1x1x128xf32> to vector<1x128xf32>
    %swap3A_599 = vector.shape_cast %get3A_592 : vector<1x128xf32> to vector<1x1x1x128xf32>
    tpu.vector_store %arg5[%swap3A_593, %swap3A_594, %swap3A_595, %swap3A_596], %swap3A_599 {strides = array<i32>} : memref<1x4x2048x128xf32, #tpu.memory_space<vmem>>, vector<1x1x1x128xf32>,
    %get3A_600 = arith.constant 0 : index
    %get3A_601 = arith.constant 3 : index
    %get3A_602 = arith.constant 10 : index
    %get3A_603 = arith.constant 0 : index
    %get3A_604 = vector.load %arg3[%get3A_600, %get3A_601, %get3A_602, %get3A_603] : memref<1x4x16x128xf32, #tpu.memory_space<vmem>>, vector<1x1x1x128xf32>
    %get3A_605 = vector.shape_cast %get3A_604 : vector<1x1x1x128xf32> to vector<1x128xf32>
    %swap3A_606 = arith.constant 0 : index
    %swap3A_607 = arith.constant 3 : index
    %swap3A_608 = arith.index_cast %get3A_560 : i32 to index
    %swap3A_609 = arith.constant 0 : index
    %swap3A_610 = vector.load %arg5[%swap3A_606, %swap3A_607, %swap3A_608, %swap3A_609] : memref<1x4x2048x128xf32, #tpu.memory_space<vmem>>, vector<1x1x1x128xf32>
    %swap3A_611 = vector.shape_cast %swap3A_610 : vector<1x1x1x128xf32> to vector<1x128xf32>
    %swap3A_612 = vector.shape_cast %get3A_605 : vector<1x128xf32> to vector<1x1x1x128xf32>
    tpu.vector_store %arg5[%swap3A_606, %swap3A_607, %swap3A_608, %swap3A_609], %swap3A_612 {strides = array<i32>} : memref<1x4x2048x128xf32, #tpu.memory_space<vmem>>, vector<1x1x1x128xf32>,
    %get3A_613 = arith.index_cast %arg0 : i32 to index
    %get3A_614 = arith.constant 11 : index
    %get3A_615 = memref.load %arg2[%get3A_613, %get3A_614] : memref<8x16xi32, #tpu.memory_space<smem>>
    %get3A_616 = arith.constant 0 : index
    %get3A_617 = arith.constant 0 : index
    %get3A_618 = arith.constant 11 : index
    %get3A_619 = arith.constant 0 : index
    %get3A_620 = vector.load %arg3[%get3A_616, %get3A_617, %get3A_618, %get3A_619] : memref<1x4x16x128xf32, #tpu.memory_space<vmem>>, vector<1x1x1x128xf32>
    %get3A_621 = vector.shape_cast %get3A_620 : vector<1x1x1x128xf32> to vector<1x128xf32>
    %swap3A_622 = arith.constant 0 : index
    %swap3A_623 = arith.constant 0 : index
    %swap3A_624 = arith.index_cast %get3A_615 : i32 to index
    %swap3A_625 = arith.constant 0 : index
    %swap3A_626 = vector.load %arg5[%swap3A_622, %swap3A_623, %swap3A_624, %swap3A_625] : memref<1x4x2048x128xf32, #tpu.memory_space<vmem>>, vector<1x1x1x128xf32>
    %swap3A_627 = vector.shape_cast %swap3A_626 : vector<1x1x1x128xf32> to vector<1x128xf32>
    %swap3A_628 = vector.shape_cast %get3A_621 : vector<1x128xf32> to vector<1x1x1x128xf32>
    tpu.vector_store %arg5[%swap3A_622, %swap3A_623, %swap3A_624, %swap3A_625], %swap3A_628 {strides = array<i32>} : memref<1x4x2048x128xf32, #tpu.memory_space<vmem>>, vector<1x1x1x128xf32>,
    %get3A_629 = arith.constant 0 : index
    %get3A_630 = arith.constant 1 : index
    %get3A_631 = arith.constant 11 : index
    %get3A_632 = arith.constant 0 : index
    %get3A_633 = vector.load %arg3[%get3A_629, %get3A_630, %get3A_631, %get3A_632] : memref<1x4x16x128xf32, #tpu.memory_space<vmem>>, vector<1x1x1x128xf32>
    %get3A_634 = vector.shape_cast %get3A_633 : vector<1x1x1x128xf32> to vector<1x128xf32>
    %swap3A_635 = arith.constant 0 : index
    %swap3A_636 = arith.constant 1 : index
    %swap3A_637 = arith.index_cast %get3A_615 : i32 to index
    %swap3A_638 = arith.constant 0 : index
    %swap3A_639 = vector.load %arg5[%swap3A_635, %swap3A_636, %swap3A_637, %swap3A_638] : memref<1x4x2048x128xf32, #tpu.memory_space<vmem>>, vector<1x1x1x128xf32>
    %swap3A_640 = vector.shape_cast %swap3A_639 : vector<1x1x1x128xf32> to vector<1x128xf32>
    %swap3A_641 = vector.shape_cast %get3A_634 : vector<1x128xf32> to vector<1x1x1x128xf32>
    tpu.vector_store %arg5[%swap3A_635, %swap3A_636, %swap3A_637, %swap3A_638], %swap3A_641 {strides = array<i32>} : memref<1x4x2048x128xf32, #tpu.memory_space<vmem>>, vector<1x1x1x128xf32>,
    %get3A_642 = arith.constant 0 : index
    %get3A_643 = arith.constant 2 : index
    %get3A_644 = arith.constant 11 : index
    %get3A_645 = arith.constant 0 : index
    %get3A_646 = vector.load %arg3[%get3A_642, %get3A_643, %get3A_644, %get3A_645] : memref<1x4x16x128xf32, #tpu.memory_space<vmem>>, vector<1x1x1x128xf32>
    %get3A_647 = vector.shape_cast %get3A_646 : vector<1x1x1x128xf32> to vector<1x128xf32>
    %swap3A_648 = arith.constant 0 : index
    %swap3A_649 = arith.constant 2 : index
    %swap3A_650 = arith.index_cast %get3A_615 : i32 to index
    %swap3A_651 = arith.constant 0 : index
    %swap3A_652 = vector.load %arg5[%swap3A_648, %swap3A_649, %swap3A_650, %swap3A_651] : memref<1x4x2048x128xf32, #tpu.memory_space<vmem>>, vector<1x1x1x128xf32>
    %swap3A_653 = vector.shape_cast %swap3A_652 : vector<1x1x1x128xf32> to vector<1x128xf32>
    %swap3A_654 = vector.shape_cast %get3A_647 : vector<1x128xf32> to vector<1x1x1x128xf32>
    tpu.vector_store %arg5[%swap3A_648, %swap3A_649, %swap3A_650, %swap3A_651], %swap3A_654 {strides = array<i32>} : memref<1x4x2048x128xf32, #tpu.memory_space<vmem>>, vector<1x1x1x128xf32>,
    %get3A_655 = arith.constant 0 : index
    %get3A_656 = arith.constant 3 : index
    %get3A_657 = arith.constant 11 : index
    %get3A_658 = arith.constant 0 : index
    %get3A_659 = vector.load %arg3[%get3A_655, %get3A_656, %get3A_657, %get3A_658] : memref<1x4x16x128xf32, #tpu.memory_space<vmem>>, vector<1x1x1x128xf32>
    %get3A_660 = vector.shape_cast %get3A_659 : vector<1x1x1x128xf32> to vector<1x128xf32>
    %swap3A_661 = arith.constant 0 : index
    %swap3A_662 = arith.constant 3 : index
    %swap3A_663 = arith.index_cast %get3A_615 : i32 to index
    %swap3A_664 = arith.constant 0 : index
    %swap3A_665 = vector.load %arg5[%swap3A_661, %swap3A_662, %swap3A_663, %swap3A_664] : memref<1x4x2048x128xf32, #tpu.memory_space<vmem>>, vector<1x1x1x128xf32>
    %swap3A_666 = vector.shape_cast %swap3A_665 : vector<1x1x1x128xf32> to vector<1x128xf32>
    %swap3A_667 = vector.shape_cast %get3A_660 : vector<1x128xf32> to vector<1x1x1x128xf32>
    tpu.vector_store %arg5[%swap3A_661, %swap3A_662, %swap3A_663, %swap3A_664], %swap3A_667 {strides = array<i32>} : memref<1x4x2048x128xf32, #tpu.memory_space<vmem>>, vector<1x1x1x128xf32>,
    %get3A_668 = arith.index_cast %arg0 : i32 to index
    %get3A_669 = arith.constant 12 : index
    %get3A_670 = memref.load %arg2[%get3A_668, %get3A_669] : memref<8x16xi32, #tpu.memory_space<smem>>
    %get3A_671 = arith.constant 0 : index
    %get3A_672 = arith.constant 0 : index
    %get3A_673 = arith.constant 12 : index
    %get3A_674 = arith.constant 0 : index
    %get3A_675 = vector.load %arg3[%get3A_671, %get3A_672, %get3A_673, %get3A_674] : memref<1x4x16x128xf32, #tpu.memory_space<vmem>>, vector<1x1x1x128xf32>
    %get3A_676 = vector.shape_cast %get3A_675 : vector<1x1x1x128xf32> to vector<1x128xf32>
    %swap3A_677 = arith.constant 0 : index
    %swap3A_678 = arith.constant 0 : index
    %swap3A_679 = arith.index_cast %get3A_670 : i32 to index
    %swap3A_680 = arith.constant 0 : index
    %swap3A_681 = vector.load %arg5[%swap3A_677, %swap3A_678, %swap3A_679, %swap3A_680] : memref<1x4x2048x128xf32, #tpu.memory_space<vmem>>, vector<1x1x1x128xf32>
    %swap3A_682 = vector.shape_cast %swap3A_681 : vector<1x1x1x128xf32> to vector<1x128xf32>
    %swap3A_683 = vector.shape_cast %get3A_676 : vector<1x128xf32> to vector<1x1x1x128xf32>
    tpu.vector_store %arg5[%swap3A_677, %swap3A_678, %swap3A_679, %swap3A_680], %swap3A_683 {strides = array<i32>} : memref<1x4x2048x128xf32, #tpu.memory_space<vmem>>, vector<1x1x1x128xf32>,
    %get3A_684 = arith.constant 0 : index
    %get3A_685 = arith.constant 1 : index
    %get3A_686 = arith.constant 12 : index
    %get3A_687 = arith.constant 0 : index
    %get3A_688 = vector.load %arg3[%get3A_684, %get3A_685, %get3A_686, %get3A_687] : memref<1x4x16x128xf32, #tpu.memory_space<vmem>>, vector<1x1x1x128xf32>
    %get3A_689 = vector.shape_cast %get3A_688 : vector<1x1x1x128xf32> to vector<1x128xf32>
    %swap3A_690 = arith.constant 0 : index
    %swap3A_691 = arith.constant 1 : index
    %swap3A_692 = arith.index_cast %get3A_670 : i32 to index
    %swap3A_693 = arith.constant 0 : index
    %swap3A_694 = vector.load %arg5[%swap3A_690, %swap3A_691, %swap3A_692, %swap3A_693] : memref<1x4x2048x128xf32, #tpu.memory_space<vmem>>, vector<1x1x1x128xf32>
    %swap3A_695 = vector.shape_cast %swap3A_694 : vector<1x1x1x128xf32> to vector<1x128xf32>
    %swap3A_696 = vector.shape_cast %get3A_689 : vector<1x128xf32> to vector<1x1x1x128xf32>
    tpu.vector_store %arg5[%swap3A_690, %swap3A_691, %swap3A_692, %swap3A_693], %swap3A_696 {strides = array<i32>} : memref<1x4x2048x128xf32, #tpu.memory_space<vmem>>, vector<1x1x1x128xf32>,
    %get3A_697 = arith.constant 0 : index
    %get3A_698 = arith.constant 2 : index
    %get3A_699 = arith.constant 12 : index
    %get3A_700 = arith.constant 0 : index
    %get3A_701 = vector.load %arg3[%get3A_697, %get3A_698, %get3A_699, %get3A_700] : memref<1x4x16x128xf32, #tpu.memory_space<vmem>>, vector<1x1x1x128xf32>
    %get3A_702 = vector.shape_cast %get3A_701 : vector<1x1x1x128xf32> to vector<1x128xf32>
    %swap3A_703 = arith.constant 0 : index
    %swap3A_704 = arith.constant 2 : index
    %swap3A_705 = arith.index_cast %get3A_670 : i32 to index
    %swap3A_706 = arith.constant 0 : index
    %swap3A_707 = vector.load %arg5[%swap3A_703, %swap3A_704, %swap3A_705, %swap3A_706] : memref<1x4x2048x128xf32, #tpu.memory_space<vmem>>, vector<1x1x1x128xf32>
    %swap3A_708 = vector.shape_cast %swap3A_707 : vector<1x1x1x128xf32> to vector<1x128xf32>
    %swap3A_709 = vector.shape_cast %get3A_702 : vector<1x128xf32> to vector<1x1x1x128xf32>
    tpu.vector_store %arg5[%swap3A_703, %swap3A_704, %swap3A_705, %swap3A_706], %swap3A_709 {strides = array<i32>} : memref<1x4x2048x128xf32, #tpu.memory_space<vmem>>, vector<1x1x1x128xf32>,
    %get3A_710 = arith.constant 0 : index
    %get3A_711 = arith.constant 3 : index
    %get3A_712 = arith.constant 12 : index
    %get3A_713 = arith.constant 0 : index
    %get3A_714 = vector.load %arg3[%get3A_710, %get3A_711, %get3A_712, %get3A_713] : memref<1x4x16x128xf32, #tpu.memory_space<vmem>>, vector<1x1x1x128xf32>
    %get3A_715 = vector.shape_cast %get3A_714 : vector<1x1x1x128xf32> to vector<1x128xf32>
    %swap3A_716 = arith.constant 0 : index
    %swap3A_717 = arith.constant 3 : index
    %swap3A_718 = arith.index_cast %get3A_670 : i32 to index
    %swap3A_719 = arith.constant 0 : index
    %swap3A_720 = vector.load %arg5[%swap3A_716, %swap3A_717, %swap3A_718, %swap3A_719] : memref<1x4x2048x128xf32, #tpu.memory_space<vmem>>, vector<1x1x1x128xf32>
    %swap3A_721 = vector.shape_cast %swap3A_720 : vector<1x1x1x128xf32> to vector<1x128xf32>
    %swap3A_722 = vector.shape_cast %get3A_715 : vector<1x128xf32> to vector<1x1x1x128xf32>
    tpu.vector_store %arg5[%swap3A_716, %swap3A_717, %swap3A_718, %swap3A_719], %swap3A_722 {strides = array<i32>} : memref<1x4x2048x128xf32, #tpu.memory_space<vmem>>, vector<1x1x1x128xf32>,
    %get3A_723 = arith.index_cast %arg0 : i32 to index
    %get3A_724 = arith.constant 13 : index
    %get3A_725 = memref.load %arg2[%get3A_723, %get3A_724] : memref<8x16xi32, #tpu.memory_space<smem>>
    %get3A_726 = arith.constant 0 : index
    %get3A_727 = arith.constant 0 : index
    %get3A_728 = arith.constant 13 : index
    %get3A_729 = arith.constant 0 : index
    %get3A_730 = vector.load %arg3[%get3A_726, %get3A_727, %get3A_728, %get3A_729] : memref<1x4x16x128xf32, #tpu.memory_space<vmem>>, vector<1x1x1x128xf32>
    %get3A_731 = vector.shape_cast %get3A_730 : vector<1x1x1x128xf32> to vector<1x128xf32>
    %swap3A_732 = arith.constant 0 : index
    %swap3A_733 = arith.constant 0 : index
    %swap3A_734 = arith.index_cast %get3A_725 : i32 to index
    %swap3A_735 = arith.constant 0 : index
    %swap3A_736 = vector.load %arg5[%swap3A_732, %swap3A_733, %swap3A_734, %swap3A_735] : memref<1x4x2048x128xf32, #tpu.memory_space<vmem>>, vector<1x1x1x128xf32>
    %swap3A_737 = vector.shape_cast %swap3A_736 : vector<1x1x1x128xf32> to vector<1x128xf32>
    %swap3A_738 = vector.shape_cast %get3A_731 : vector<1x128xf32> to vector<1x1x1x128xf32>
    tpu.vector_store %arg5[%swap3A_732, %swap3A_733, %swap3A_734, %swap3A_735], %swap3A_738 {strides = array<i32>} : memref<1x4x2048x128xf32, #tpu.memory_space<vmem>>, vector<1x1x1x128xf32>,
    %get3A_739 = arith.constant 0 : index
    %get3A_740 = arith.constant 1 : index
    %get3A_741 = arith.constant 13 : index
    %get3A_742 = arith.constant 0 : index
    %get3A_743 = vector.load %arg3[%get3A_739, %get3A_740, %get3A_741, %get3A_742] : memref<1x4x16x128xf32, #tpu.memory_space<vmem>>, vector<1x1x1x128xf32>
    %get3A_744 = vector.shape_cast %get3A_743 : vector<1x1x1x128xf32> to vector<1x128xf32>
    %swap3A_745 = arith.constant 0 : index
    %swap3A_746 = arith.constant 1 : index
    %swap3A_747 = arith.index_cast %get3A_725 : i32 to index
    %swap3A_748 = arith.constant 0 : index
    %swap3A_749 = vector.load %arg5[%swap3A_745, %swap3A_746, %swap3A_747, %swap3A_748] : memref<1x4x2048x128xf32, #tpu.memory_space<vmem>>, vector<1x1x1x128xf32>
    %swap3A_750 = vector.shape_cast %swap3A_749 : vector<1x1x1x128xf32> to vector<1x128xf32>
    %swap3A_751 = vector.shape_cast %get3A_744 : vector<1x128xf32> to vector<1x1x1x128xf32>
    tpu.vector_store %arg5[%swap3A_745, %swap3A_746, %swap3A_747, %swap3A_748], %swap3A_751 {strides = array<i32>} : memref<1x4x2048x128xf32, #tpu.memory_space<vmem>>, vector<1x1x1x128xf32>,
    %get3A_752 = arith.constant 0 : index
    %get3A_753 = arith.constant 2 : index
    %get3A_754 = arith.constant 13 : index
    %get3A_755 = arith.constant 0 : index
    %get3A_756 = vector.load %arg3[%get3A_752, %get3A_753, %get3A_754, %get3A_755] : memref<1x4x16x128xf32, #tpu.memory_space<vmem>>, vector<1x1x1x128xf32>
    %get3A_757 = vector.shape_cast %get3A_756 : vector<1x1x1x128xf32> to vector<1x128xf32>
    %swap3A_758 = arith.constant 0 : index
    %swap3A_759 = arith.constant 2 : index
    %swap3A_760 = arith.index_cast %get3A_725 : i32 to index
    %swap3A_761 = arith.constant 0 : index
    %swap3A_762 = vector.load %arg5[%swap3A_758, %swap3A_759, %swap3A_760, %swap3A_761] : memref<1x4x2048x128xf32, #tpu.memory_space<vmem>>, vector<1x1x1x128xf32>
    %swap3A_763 = vector.shape_cast %swap3A_762 : vector<1x1x1x128xf32> to vector<1x128xf32>
    %swap3A_764 = vector.shape_cast %get3A_757 : vector<1x128xf32> to vector<1x1x1x128xf32>
    tpu.vector_store %arg5[%swap3A_758, %swap3A_759, %swap3A_760, %swap3A_761], %swap3A_764 {strides = array<i32>} : memref<1x4x2048x128xf32, #tpu.memory_space<vmem>>, vector<1x1x1x128xf32>,
    %get3A_765 = arith.constant 0 : index
    %get3A_766 = arith.constant 3 : index
    %get3A_767 = arith.constant 13 : index
    %get3A_768 = arith.constant 0 : index
    %get3A_769 = vector.load %arg3[%get3A_765, %get3A_766, %get3A_767, %get3A_768] : memref<1x4x16x128xf32, #tpu.memory_space<vmem>>, vector<1x1x1x128xf32>
    %get3A_770 = vector.shape_cast %get3A_769 : vector<1x1x1x128xf32> to vector<1x128xf32>
    %swap3A_771 = arith.constant 0 : index
    %swap3A_772 = arith.constant 3 : index
    %swap3A_773 = arith.index_cast %get3A_725 : i32 to index
    %swap3A_774 = arith.constant 0 : index
    %swap3A_775 = vector.load %arg5[%swap3A_771, %swap3A_772, %swap3A_773, %swap3A_774] : memref<1x4x2048x128xf32, #tpu.memory_space<vmem>>, vector<1x1x1x128xf32>
    %swap3A_776 = vector.shape_cast %swap3A_775 : vector<1x1x1x128xf32> to vector<1x128xf32>
    %swap3A_777 = vector.shape_cast %get3A_770 : vector<1x128xf32> to vector<1x1x1x128xf32>
    tpu.vector_store %arg5[%swap3A_771, %swap3A_772, %swap3A_773, %swap3A_774], %swap3A_777 {strides = array<i32>} : memref<1x4x2048x128xf32, #tpu.memory_space<vmem>>, vector<1x1x1x128xf32>,
    %get3A_778 = arith.index_cast %arg0 : i32 to index
    %get3A_779 = arith.constant 14 : index
    %get3A_780 = memref.load %arg2[%get3A_778, %get3A_779] : memref<8x16xi32, #tpu.memory_space<smem>>
    %get3A_781 = arith.constant 0 : index
    %get3A_782 = arith.constant 0 : index
    %get3A_783 = arith.constant 14 : index
    %get3A_784 = arith.constant 0 : index
    %get3A_785 = vector.load %arg3[%get3A_781, %get3A_782, %get3A_783, %get3A_784] : memref<1x4x16x128xf32, #tpu.memory_space<vmem>>, vector<1x1x1x128xf32>
    %get3A_786 = vector.shape_cast %get3A_785 : vector<1x1x1x128xf32> to vector<1x128xf32>
    %swap3A_787 = arith.constant 0 : index
    %swap3A_788 = arith.constant 0 : index
    %swap3A_789 = arith.index_cast %get3A_780 : i32 to index
    %swap3A_790 = arith.constant 0 : index
    %swap3A_791 = vector.load %arg5[%swap3A_787, %swap3A_788, %swap3A_789, %swap3A_790] : memref<1x4x2048x128xf32, #tpu.memory_space<vmem>>, vector<1x1x1x128xf32>
    %swap3A_792 = vector.shape_cast %swap3A_791 : vector<1x1x1x128xf32> to vector<1x128xf32>
    %swap3A_793 = vector.shape_cast %get3A_786 : vector<1x128xf32> to vector<1x1x1x128xf32>
    tpu.vector_store %arg5[%swap3A_787, %swap3A_788, %swap3A_789, %swap3A_790], %swap3A_793 {strides = array<i32>} : memref<1x4x2048x128xf32, #tpu.memory_space<vmem>>, vector<1x1x1x128xf32>,
    %get3A_794 = arith.constant 0 : index
    %get3A_795 = arith.constant 1 : index
    %get3A_796 = arith.constant 14 : index
    %get3A_797 = arith.constant 0 : index
    %get3A_798 = vector.load %arg3[%get3A_794, %get3A_795, %get3A_796, %get3A_797] : memref<1x4x16x128xf32, #tpu.memory_space<vmem>>, vector<1x1x1x128xf32>
    %get3A_799 = vector.shape_cast %get3A_798 : vector<1x1x1x128xf32> to vector<1x128xf32>
    %swap3A_800 = arith.constant 0 : index
    %swap3A_801 = arith.constant 1 : index
    %swap3A_802 = arith.index_cast %get3A_780 : i32 to index
    %swap3A_803 = arith.constant 0 : index
    %swap3A_804 = vector.load %arg5[%swap3A_800, %swap3A_801, %swap3A_802, %swap3A_803] : memref<1x4x2048x128xf32, #tpu.memory_space<vmem>>, vector<1x1x1x128xf32>
    %swap3A_805 = vector.shape_cast %swap3A_804 : vector<1x1x1x128xf32> to vector<1x128xf32>
    %swap3A_806 = vector.shape_cast %get3A_799 : vector<1x128xf32> to vector<1x1x1x128xf32>
    tpu.vector_store %arg5[%swap3A_800, %swap3A_801, %swap3A_802, %swap3A_803], %swap3A_806 {strides = array<i32>} : memref<1x4x2048x128xf32, #tpu.memory_space<vmem>>, vector<1x1x1x128xf32>,
    %get3A_807 = arith.constant 0 : index
    %get3A_808 = arith.constant 2 : index
    %get3A_809 = arith.constant 14 : index
    %get3A_810 = arith.constant 0 : index
    %get3A_811 = vector.load %arg3[%get3A_807, %get3A_808, %get3A_809, %get3A_810] : memref<1x4x16x128xf32, #tpu.memory_space<vmem>>, vector<1x1x1x128xf32>
    %get3A_812 = vector.shape_cast %get3A_811 : vector<1x1x1x128xf32> to vector<1x128xf32>
    %swap3A_813 = arith.constant 0 : index
    %swap3A_814 = arith.constant 2 : index
    %swap3A_815 = arith.index_cast %get3A_780 : i32 to index
    %swap3A_816 = arith.constant 0 : index
    %swap3A_817 = vector.load %arg5[%swap3A_813, %swap3A_814, %swap3A_815, %swap3A_816] : memref<1x4x2048x128xf32, #tpu.memory_space<vmem>>, vector<1x1x1x128xf32>
    %swap3A_818 = vector.shape_cast %swap3A_817 : vector<1x1x1x128xf32> to vector<1x128xf32>
    %swap3A_819 = vector.shape_cast %get3A_812 : vector<1x128xf32> to vector<1x1x1x128xf32>
    tpu.vector_store %arg5[%swap3A_813, %swap3A_814, %swap3A_815, %swap3A_816], %swap3A_819 {strides = array<i32>} : memref<1x4x2048x128xf32, #tpu.memory_space<vmem>>, vector<1x1x1x128xf32>,
    %get3A_820 = arith.constant 0 : index
    %get3A_821 = arith.constant 3 : index
    %get3A_822 = arith.constant 14 : index
    %get3A_823 = arith.constant 0 : index
    %get3A_824 = vector.load %arg3[%get3A_820, %get3A_821, %get3A_822, %get3A_823] : memref<1x4x16x128xf32, #tpu.memory_space<vmem>>, vector<1x1x1x128xf32>
    %get3A_825 = vector.shape_cast %get3A_824 : vector<1x1x1x128xf32> to vector<1x128xf32>
    %swap3A_826 = arith.constant 0 : index
    %swap3A_827 = arith.constant 3 : index
    %swap3A_828 = arith.index_cast %get3A_780 : i32 to index
    %swap3A_829 = arith.constant 0 : index
    %swap3A_830 = vector.load %arg5[%swap3A_826, %swap3A_827, %swap3A_828, %swap3A_829] : memref<1x4x2048x128xf32, #tpu.memory_space<vmem>>, vector<1x1x1x128xf32>
    %swap3A_831 = vector.shape_cast %swap3A_830 : vector<1x1x1x128xf32> to vector<1x128xf32>
    %swap3A_832 = vector.shape_cast %get3A_825 : vector<1x128xf32> to vector<1x1x1x128xf32>
    tpu.vector_store %arg5[%swap3A_826, %swap3A_827, %swap3A_828, %swap3A_829], %swap3A_832 {strides = array<i32>} : memref<1x4x2048x128xf32, #tpu.memory_space<vmem>>, vector<1x1x1x128xf32>,
    %get3A_833 = arith.index_cast %arg0 : i32 to index
    %get3A_834 = arith.constant 15 : index
    %get3A_835 = memref.load %arg2[%get3A_833, %get3A_834] : memref<8x16xi32, #tpu.memory_space<smem>>
    %get3A_836 = arith.constant 0 : index
    %get3A_837 = arith.constant 0 : index
    %get3A_838 = arith.constant 15 : index
    %get3A_839 = arith.constant 0 : index
    %get3A_840 = vector.load %arg3[%get3A_836, %get3A_837, %get3A_838, %get3A_839] : memref<1x4x16x128xf32, #tpu.memory_space<vmem>>, vector<1x1x1x128xf32>
    %get3A_841 = vector.shape_cast %get3A_840 : vector<1x1x1x128xf32> to vector<1x128xf32>
    %swap3A_842 = arith.constant 0 : index
    %swap3A_843 = arith.constant 0 : index
    %swap3A_844 = arith.index_cast %get3A_835 : i32 to index
    %swap3A_845 = arith.constant 0 : index
    %swap3A_846 = vector.load %arg5[%swap3A_842, %swap3A_843, %swap3A_844, %swap3A_845] : memref<1x4x2048x128xf32, #tpu.memory_space<vmem>>, vector<1x1x1x128xf32>
    %swap3A_847 = vector.shape_cast %swap3A_846 : vector<1x1x1x128xf32> to vector<1x128xf32>
    %swap3A_848 = vector.shape_cast %get3A_841 : vector<1x128xf32> to vector<1x1x1x128xf32>
    tpu.vector_store %arg5[%swap3A_842, %swap3A_843, %swap3A_844, %swap3A_845], %swap3A_848 {strides = array<i32>} : memref<1x4x2048x128xf32, #tpu.memory_space<vmem>>, vector<1x1x1x128xf32>,
    %get3A_849 = arith.constant 0 : index
    %get3A_850 = arith.constant 1 : index
    %get3A_851 = arith.constant 15 : index
    %get3A_852 = arith.constant 0 : index
    %get3A_853 = vector.load %arg3[%get3A_849, %get3A_850, %get3A_851, %get3A_852] : memref<1x4x16x128xf32, #tpu.memory_space<vmem>>, vector<1x1x1x128xf32>
    %get3A_854 = vector.shape_cast %get3A_853 : vector<1x1x1x128xf32> to vector<1x128xf32>
    %swap3A_855 = arith.constant 0 : index
    %swap3A_856 = arith.constant 1 : index
    %swap3A_857 = arith.index_cast %get3A_835 : i32 to index
    %swap3A_858 = arith.constant 0 : index
    %swap3A_859 = vector.load %arg5[%swap3A_855, %swap3A_856, %swap3A_857, %swap3A_858] : memref<1x4x2048x128xf32, #tpu.memory_space<vmem>>, vector<1x1x1x128xf32>
    %swap3A_860 = vector.shape_cast %swap3A_859 : vector<1x1x1x128xf32> to vector<1x128xf32>
    %swap3A_861 = vector.shape_cast %get3A_854 : vector<1x128xf32> to vector<1x1x1x128xf32>
    tpu.vector_store %arg5[%swap3A_855, %swap3A_856, %swap3A_857, %swap3A_858], %swap3A_861 {strides = array<i32>} : memref<1x4x2048x128xf32, #tpu.memory_space<vmem>>, vector<1x1x1x128xf32>,
    %get3A_862 = arith.constant 0 : index
    %get3A_863 = arith.constant 2 : index
    %get3A_864 = arith.constant 15 : index
    %get3A_865 = arith.constant 0 : index
    %get3A_866 = vector.load %arg3[%get3A_862, %get3A_863, %get3A_864, %get3A_865] : memref<1x4x16x128xf32, #tpu.memory_space<vmem>>, vector<1x1x1x128xf32>
    %get3A_867 = vector.shape_cast %get3A_866 : vector<1x1x1x128xf32> to vector<1x128xf32>
    %swap3A_868 = arith.constant 0 : index
    %swap3A_869 = arith.constant 2 : index
    %swap3A_870 = arith.index_cast %get3A_835 : i32 to index
    %swap3A_871 = arith.constant 0 : index
    %swap3A_872 = vector.load %arg5[%swap3A_868, %swap3A_869, %swap3A_870, %swap3A_871] : memref<1x4x2048x128xf32, #tpu.memory_space<vmem>>, vector<1x1x1x128xf32>
    %swap3A_873 = vector.shape_cast %swap3A_872 : vector<1x1x1x128xf32> to vector<1x128xf32>
    %swap3A_874 = vector.shape_cast %get3A_867 : vector<1x128xf32> to vector<1x1x1x128xf32>
    tpu.vector_store %arg5[%swap3A_868, %swap3A_869, %swap3A_870, %swap3A_871], %swap3A_874 {strides = array<i32>} : memref<1x4x2048x128xf32, #tpu.memory_space<vmem>>, vector<1x1x1x128xf32>,
    %get3A_875 = arith.constant 0 : index
    %get3A_876 = arith.constant 3 : index
    %get3A_877 = arith.constant 15 : index
    %get3A_878 = arith.constant 0 : index
    %get3A_879 = vector.load %arg3[%get3A_875, %get3A_876, %get3A_877, %get3A_878] : memref<1x4x16x128xf32, #tpu.memory_space<vmem>>, vector<1x1x1x128xf32>
    %get3A_880 = vector.shape_cast %get3A_879 : vector<1x1x1x128xf32> to vector<1x128xf32>
    %swap3A_881 = arith.constant 0 : index
    %swap3A_882 = arith.constant 3 : index
    %swap3A_883 = arith.index_cast %get3A_835 : i32 to index
    %swap3A_884 = arith.constant 0 : index
    %swap3A_885 = vector.load %arg5[%swap3A_881, %swap3A_882, %swap3A_883, %swap3A_884] : memref<1x4x2048x128xf32, #tpu.memory_space<vmem>>, vector<1x1x1x128xf32>
    %swap3A_886 = vector.shape_cast %swap3A_885 : vector<1x1x1x128xf32> to vector<1x128xf32>
    %swap3A_887 = vector.shape_cast %get3A_880 : vector<1x128xf32> to vector<1x1x1x128xf32>
    tpu.vector_store %arg5[%swap3A_881, %swap3A_882, %swap3A_883, %swap3A_884], %swap3A_887 {strides = array<i32>} : memref<1x4x2048x128xf32, #tpu.memory_space<vmem>>, vector<1x1x1x128xf32>,
    return
  }
  func.func @transform_0(%arg0: i32, %arg1: i32, %arg2: memref<8x16xi32, #tpu.memory_space<smem>>) -> (i32, i32, i32, i32) {
    %c0_i32 = arith.constant 0 : i32
    %c0_i32_0 = arith.constant 0 : i32
    %c0_i32_1 = arith.constant 0 : i32
    return %arg0, %arg1, %c0_i32, %c0_i32_0 : i32, i32, i32, i32
  }
  func.func @transform_1(%arg0: i32, %arg1: i32, %arg2: memref<8x16xi32, #tpu.memory_space<smem>>) -> (i32, i32, i32, i32) {
    %c0_i32 = arith.constant 0 : i32
    %c0_i32_0 = arith.constant 0 : i32
    %c0_i32_1 = arith.constant 0 : i32
    return %arg0, %arg1, %c0_i32, %c0_i32_0 : i32, i32, i32, i32
  }
  func.func @transform_2(%arg0: i32, %arg1: i32, %arg2: memref<8x16xi32, #tpu.memory_space<smem>>) -> (i32, i32, i32, i32) {
    %c0_i32 = arith.constant 0 : i32
    %c0_i32_0 = arith.constant 0 : i32
    %c0_i32_1 = arith.constant 0 : i32
    return %arg0, %arg1, %c0_i32, %c0_i32_0 : i32, i32, i32, i32
  }
}

</mosaic_0001>

<sc_bundles>
// kernel: kernel.4.cloned.1.call-start
scs
__scs_entry_jumppad:
0x0: {  	(pc) =	sbr.rel $0x88, $3  }
0x1: {  	(tag) =	ssettag $0x0;
	lr =	simm.s32 $0x1  }
0x2: {  	[smem:$0x3F9C] =	sst lr;
	_ =	strace $0xD0000000  }
0x3: {  	_ = 	snop  }
0x4: {  	_ = 	snop  }
0x5: {  	_ = 	snop  }
0x6: {  	_ = 	snop  }
0x7: {  	_ = 	snop  }
__scs_overlays_trampoline_lowered:
0x8: {  	[smem:$0x3FAB] =	sst s0  }
0x9: {  	[smem:$0x3FAC] =	sst s1  }
0xa: {  	[smem:$0x3FAD] =	sst s2  }
0xb: {  	[smem:$0x3FAE] =	sst s3  }
0xc: {  	[smem:$0x3FAF] =	sst s4  }
0xd: {  	[smem:$0x3FB0] =	sst s5  }
0xe: {  	[smem:$0x3FB1] =	sst s6  }
0xf: {  	[smem:$0x3FB2] =	sst s7  }
0x10: {  	[smem:$0x3FB3] =	sst s8  }
0x11: {  	[smem:$0x3FB4] =	sst s9;
	s0 =	simm.s32 @!p0 $0x0  }
0x12: {  	s1 =	sld [smem:$0x3F9A];
	s0 =	simm.s32 @p0 $0x1  }
0x13: {  	[smem:$0x3FB5] =	sst s0;
	s0 =	simm.s32 @!p1 $0x0  }
0x14: {  	s2 =	sld [smem:$0x3F99];
	s0 =	simm.s32 @p1 $0x1  }
0x15: {  	[smem:$0x3FB6] =	sst s0;
	s0 =	simm.s32 @!p2 $0x0  }
0x16: {  	s3 =	sld [smem:$0x3FDB];
	s0 =	simm.s32 @p2 $0x1  }
0x17: {  	s4 =	simm.s32 $0x1BF5;
	[smem:$0x3FB8] =	sst s0  }
0x18: {  	s0 =	sld [smem:$0x3F9B];
	_ =	swait.ge [sflag:s4], $0x0  }
0x19: {  	s7 =	sld [smem:$0x3F9C]  }
0x1a: {  	s8 =	sadd.s32 $0xFFFFE003, lr  }
0x1b: {  	s9 =	sadd.s32 $0xFFFFFEF7, lr;
	s5 =	simm.s32 $0xFFFFFFFF;
	p2 =	slt.u32 s8, $0xFFFFF086  }
0x1c: {  	p1 =	slt.u32 s9, $0xF7A;
	s5 =	simm.s32 @!p2 $0x0  }
0x1d: {  	s5 =	simm.s32 @p1 $0x1;
	p0 =	seq.s32 s7, s2  }
0x1e: {  	s7 =	smul.u32 @!p0 $0xF7A, s2;
	p2 =	seq.s32 @!p0 s5, $0x0  }
0x1f: {  	s9 =	smul.u32 $0xF7A, s1;
	s8 =	simm.s32 @!p0 $0x1BF5;
	p2 =	por !p2, p0  }
0x20: {  	[sflag:s8] =	ssyncset.s32 @!p0 $0xFFFFF086;
	s6 =	sadd.s32 @!p0 s3, s7;
	s7 =	simm.s32 @!p0 $0x108  }
0x21: {  	s3 =	sadd.s32 s3, s9;
	s6 =	sadd.s32 @!p0 $0x88, s6;
	s7 =	simm.s32 @p2 $0x1082  }
0x22: {  	[simem:s7], [sflag:s8] =	dma.local @!p0 [hbm:s6], $0xF7A  }
0x23: {  	s9 =	sor.u32 $0xD0000000, s2;
	s6 =	simm.s32 $0x108;
	_ =	swait.ge @!p0 [sflag:s8], $0x0  }
0x24: {  	s3 =	sadd.s32 $0x88, s3;
	s6 =	simm.s32 @!p1 $0x1082;
	[sflag:s4] =	ssyncset.s32 $0xFFFFF086  }
0x25: {  	[simem:s6], [sflag:s4] =	dma.local [hbm:s3], $0xF7A  }
0x26: {  	[smem:$0x3F9C] =	sst s1;
	(tag) =	ssettag s2;
	_ =	strace s9  }
0x27: {  	s1 =	sld [smem:$0x3FAC]  }
0x28: {  	s2 =	sld [smem:$0x3FAD]  }
0x29: {  	s4 =	sld [smem:$0x3FAF]  }
0x2a: {  	p0 =	seq.s32 s5, $0x0;
	s5 =	sld [smem:$0x3FB0]  }
0x2b: {  	s6 =	sld [smem:$0x3FB1]  }
0x2c: {  	s7 =	sld [smem:$0x3FB2]  }
0x2d: {  	s3 =	simm.s32 $0x108;
	s8 =	sld [smem:$0x3FB3]  }
0x2e: {  	s3 =	simm.s32 @!p0 $0x1082;
	s9 =	sld [smem:$0x3FB4]  }
0x2f: {  	lr =	sadd.s32 s0, s3;
	s0 =	sld [smem:$0x3FAB]  }
0x30: {  	s3 =	sld [smem:$0x3FAE]  }
0x31: {  	[smem:$0x3FB7] =	sst s10  }
0x32: {  	s10 =	sld [smem:$0x3FB5];
	_ =	sdelay $0x3  }
0x33: {  	p0 =	seq.s32 s10, $0x1;
	s10 =	sld [smem:$0x3FB7];
	_ =	sdelay $0x3  }
0x34: {  	[smem:$0x3FB7] =	sst s10  }
0x35: {  	s10 =	sld [smem:$0x3FB6];
	_ =	sdelay $0x3  }
0x36: {  	p1 =	seq.s32 s10, $0x1;
	s10 =	sld [smem:$0x3FB7];
	_ =	sdelay $0x3  }
0x37: {  	[smem:$0x3FB7] =	sst s10  }
0x38: {  	s10 =	sld [smem:$0x3FB8]  }
0x39: {  	_ = 	snop;
	(pc) =	sbr.ind lr, $3  }
0x3a: {  	_ = 	snop  }
0x3b: {  	_ = 	snop  }
0x3c: {  	p2 =	seq.s32 s10, $0x1;
	s10 =	sld [smem:$0x3FB7]  }
0x3d: {  	_ =	shalt  }
0x3e: {  	_ =	shalt  }
0x3f: {  	_ =	shalt  }
0x40: {  	_ =	shalt  }
0x41: {  	_ =	shalt  }
0x42: {  	_ =	shalt  }
0x43: {  	_ =	shalt  }
0x44: {  	_ =	shalt  }
0x45: {  	_ =	shalt  }
0x46: {  	_ =	shalt  }
0x47: {  	_ =	shalt  }
0x48: {  	_ =	shalt  }
0x49: {  	_ =	shalt  }
0x4a: {  	_ =	shalt  }
0x4b: {  	_ =	shalt  }
0x4c: {  	_ =	shalt  }
0x4d: {  	_ =	shalt  }
0x4e: {  	_ =	shalt  }
0x4f: {  	_ =	shalt  }
0x50: {  	_ =	shalt  }
0x51: {  	_ =	shalt  }
0x52: {  	_ =	shalt  }
0x53: {  	_ =	shalt  }
0x54: {  	_ =	shalt  }
0x55: {  	_ =	shalt  }
0x56: {  	_ =	shalt  }
0x57: {  	_ =	shalt  }
0x58: {  	_ =	shalt  }
0x59: {  	_ =	shalt  }
0x5a: {  	_ =	shalt  }
0x5b: {  	_ =	shalt  }
0x5c: {  	_ =	shalt  }
0x5d: {  	_ =	shalt  }
0x5e: {  	_ =	shalt  }
0x5f: {  	_ =	shalt  }
0x60: {  	_ =	shalt  }
0x61: {  	_ =	shalt  }
0x62: {  	_ =	shalt  }
0x63: {  	_ =	shalt  }
0x64: {  	_ =	shalt  }
0x65: {  	_ =	shalt  }
0x66: {  	_ =	shalt  }
0x67: {  	_ =	shalt  }
0x68: {  	_ =	shalt  }
0x69: {  	_ =	shalt  }
0x6a: {  	_ =	shalt  }
0x6b: {  	_ =	shalt  }
0x6c: {  	_ =	shalt  }
0x6d: {  	_ =	shalt  }
0x6e: {  	_ =	shalt  }
0x6f: {  	_ =	shalt  }
0x70: {  	_ =	shalt  }
0x71: {  	_ =	shalt  }
0x72: {  	_ =	shalt  }
0x73: {  	_ =	shalt  }
0x74: {  	_ =	shalt  }
0x75: {  	_ =	shalt  }
0x76: {  	_ =	shalt  }
0x77: {  	_ =	shalt  }
0x78: {  	_ =	shalt  }
0x79: {  	_ =	shalt  }
0x7a: {  	_ =	shalt  }
0x7b: {  	_ =	shalt  }
0x7c: {  	_ =	shalt  }
0x7d: {  	_ =	shalt  }
0x7e: {  	_ =	shalt  }
0x7f: {  	_ =	shalt  }
0x80: {  	_ =	shalt  }
0x81: {  	_ =	shalt  }
0x82: {  	_ =	shalt  }
0x83: {  	_ =	shalt  }
0x84: {  	_ =	shalt  }
0x85: {  	_ =	shalt  }
0x86: {  	_ =	shalt  }
0x87: {  	_ =	shalt  }
.Lfunc_end0:
.L_simem_size_0:
called_computation_lowered:
.L_overlay_start_0:
0x88: {  	s2 =	sld [smem:$0x3FD9]  }
0x89: {  	s3 =	sld [smem:$0x3FFE];
	_ =	sdelay $0x1  }
0x8a: {  	s1 =	srdreg.scid  }
0x8b: {  	s0 =	sand.u32 $0x1, s1  }
0x8c: {  	s14 =	sshll.u32 s0, $0xA;
	s2 =	sadd.s32 s3, s2  }
0x8d: {  	s2 =	sadd.s32 s2, s14  }
0x8e: {  	[smem:$0x3FC3] =	sst s2  }
0x8f: {  	_ = 	snop  }
0x90: {  	s2 =	sld [smem:$0x3FD0];
	_ =	sdelay $0x1  }
0x91: {  	s15 =	sld [smem:$0x3FC9]  }
0x92: {  	s5 =	simm.s32 $0xA;
	s6 =	simm.s32 $0x10;
	s4 =	sld [smem:$0x3FC6]  }
0x93: {  	[smem:s6], [sflag:s5] =	dma.local [hbm:s2], $0x1  }
0x94: {  	_ =	swait.eq [sflag:s5], $0x1  }
0x95: {  	[sflag:s5] =	ssyncset.done $0x0  }
0x96: {  	[sflag:s5] =	ssyncadd.s32 $0xFFFFFFFF  }
0x97: {  	s16 =	sld [smem:$0x10];
	(tm) =	ssettm $0x1  }
0x98: {  	s17 =	sld [smem:$0x3FFB];
	_ =	sdelay $0x3  }
0x99: {  	_ =	strace s17  }
0x9a: {  	s5 =	sld [smem:$0x3FFC];
	_ =	sdelay $0x3  }
0x9b: {  	_ =	strace s5  }
0x9c: {  	s5 =	sld [smem:$0x3FFD];
	_ =	sdelay $0x3  }
0x9d: {  	_ =	strace s5  }
0x9e: {  	_ =	strace $0x8FFFFFFF  }
0x9f: {  	s18 =	sld [smem:$0x3FDB];
	_ =	sdelay $0x1  }
0xa0: {  	s19 =	simm.s32 $_scs_section_size  }
0xa1: {  	s7 =	simm.s32 $_size__tile_overlayer_lowered;
	s8 =	simm.s32 $_tile_overlayer_lowered  }
0xa2: {  	s22 =	simm.s32 $0x1BFF;
	s21 =	sshll.u32 s8, $0x1;
	s5 =	sadd.s32 s19, s18  }
0xa3: {  	s9 =	simm.s32 $0x0;
	s20 =	sshll.u32 s7, $0x1;
	s7 =	sadd.s32 s21, s5  }
0xa4: {  	[timem:s9], [sflag:s22] =	dma.local [hbm:s7], s20  }
0xa5: {  	_ =	swait.ge [sflag:s22], s20  }
0xa6: {  	s6 =	ssub.s32 $0x0, s20;
	[sflag:s22] =	ssyncset.done $0x0  }
0xa7: {  	[sflag:s22] =	ssyncadd.s32 s6;
	_ =	sdelay $0x1  }
0xa8: {  	s23 =	simm.s32 $0x1B8B  }
0xa9: {  	_ =	swait.ge [sflag:s23], $0x1  }
0xaa: {  	[sflag:s23] =	ssyncset.done $0x0  }
0xab: {  	s25 =	simm.s32 $0x1B8E;
	s24 =	sld [smem:$0x3FFE];
	[sflag:s23] =	ssyncadd.s32 $0xFFFFFFFF  }
0xac: {  	s26 =	simm.s32 $execute0_lowered;
	[smem:$0x3FD2] =	sst s25  }
0xad: {  	s7 =	sshll.u32 s26, $0x1;
	_ =	strace $0x80000046;
	[dreg:$0x1] =	wrdreg $0xFFFFFFFF  }
0xae: {  	s28 =	simm.s32 $_size_execute0_lowered;
	s5 =	sadd.s32 s5, s7;
	[dreg:$0x0] =	wrdreg $0x0  }
0xaf: {  	s7 =	sshll.u32 s28, $0x1;
	[dreg:$0x2] =	wrdreg s5  }
0xb0: {  	[dreg:$0x3] =	wrdreg s7  }
0xb1: {  	[dreg:$0x4] =	wrdreg $0xC0  }
0xb2: {  	_ =	task [dreg:s9], $0x5FFFF  }
0xb3: {  	[dreg:$0x1] =	wrdreg $0xFFFFFFFF  }
0xb4: {  	[dreg:$0x0] =	wrdreg $0x60  }
0xb5: {  	[dreg:$0x2] =	wrdreg s15  }
0xb6: {  	[dreg:$0x3] =	wrdreg s24  }
0xb7: {  	[dreg:$0x4] =	wrdreg s4  }
0xb8: {  	[dreg:$0x5] =	wrdreg s16  }
0xb9: {  	[dreg:$0x6] =	wrdreg $0x9  }
0xba: {  	_ =	task.clear_ibuf [dreg:s9], $0x7FFFF;
	_ =	strace $0x90000046  }
0xbb: {  	s29 =	simm.s32 $0x9;
	_ =	strace $0x80000048  }
0xbc: {  	_ =	swait.ge [sflag:s29], $0x1  }
0xbd: {  	[sflag:s29] =	ssyncadd.s32 $0xFFFFFFFF  }
0xbe: {  	_ =	strace $0x90000048  }
0xbf: {  	_ =	sfence  }
0xc0: {  	s30 =	sld [smem:$0x0];
	_ =	sdelay $0x2  }
0xc1: {  	s31 =	sshll.u32 s1, $0xD;
	s1 =	sshrl.u32 s1, $0x2  }
0xc2: {  	s3 =	sand.u32 $0x4000, s31;
	s1 =	sadd.s32 s1, s30  }
0xc3: {  	s0 =	sor.u32 s3, s0;
	s1 =	sshll.u32 s1, $0x11  }
0xc4: {  	s0 =	sor.u32 s1, s0  }
0xc5: {  	s0 =	sadd.s32 $0x8F2B, s0  }
0xc6: {  	[sflag:s0] =	ssyncadd.remote.s32 $0x1  }
0xc7: {  	_ =	sfence.sel $0xFFFF  }
0xc8: {  	[dreg:$0x0] =	wrdreg $0xFFFFFFFF;
	(pc) =	sbr.abs _section_cstart, $3  }
0xc9: {  	[dreg:$0x1] =	wrdreg $0xFFFFFFFF  }
0xca: {  	_ =	task.clear_ibuf [dreg:s9], $0x2FFFF;
	_ =	strace $0x9FFFFFFF  }
0xcb: {  	(tm) =	ssettm $0x7FFFFFFF  }
tec
execute0_lowered:
.L_overlay_start_1:
0x0: {  	(tag) =	ssettag $0x1  }
0x1: {  	s1 =	rddreg [dreg:$0x0]  }
0x2: {  	s5 =	rddreg [dreg:$0x1]  }
0x3: {  	s7 =	rddreg [dreg:$0x2]  }
0x4: {  	s2 =	rddreg [dreg:$0x3]  }
0x5: {  	s0 =	rddreg [dreg:$0x4]  }
0x6: {  	s4 =	simm.s32 $0x0;
	s6 =	srdreg.scid;
	s3 =	stileid.u32  }
0x7: {  	s17 =	simm.s32 $0x9100;
	s18 =	simm.s32 $0x11100;
	s19 =	simm.s32 $0x1  }
0x8: {  	s20 =	simm.s32 $0x2;
	s21 =	simm.s32 $0x3;
	s22 =	simm.s32 $0x0  }
0x9: {  	[smem:$0x7FF] =	sst s4;
	s8 =	sand.u32 $0x1, s6;
	s25 =	sand.u32 $0xE, s3  }
0xa: {  	s10 =	sshll.u32 s3, $0x1;
	s13 =	sshll.u32 s3, $0x11;
	_ =	strace $0x80000047  }
0xb: {  	s9 =	ssub.s32 $0x2, s8;
	s5 =	sadd.s32 s25, s5;
	s10 =	sor.u32 s8, s10  }
0xc: {  	v0 =	vimm.s32 $0xFFEDCBA9;
	v1 =	vimm.s32 $0x87654321;
	s30 =	sadd.s32 s13, s7;
	s16 =	sshll.u32 s8, $0x10;
	s31 =	sadd.s32 s13, s2  }
0xd: {  	v0 =	vunpack.c.l.s4.s8 v0;
	v1 =	vunpack.c.l.s4.s8 v1;
	s13 =	simm.s32 $0x80;
	s26 =	sshrl.u32 s9, $0x1;
	s28 =	sshllo.u32 s10, $0x1  }
0xe: {  	s5 =	sadd.s32 $0x800, s5;
	s11 =	sshll.u32 s10, $0x5;
	s12 =	sshll.u32 s10, $0xC  }
0xf: {  	v4 =	vlaneseq.u32;
	s29 =	sshll.u32 s10, $0x10;
	s10 =	sadd.s32 s16, s30;
	v2 =	vunpack.c.0.s8.s32 v0;
	v3 =	vunpack.c.0.s8.s32 v1;
	s9 =	ssub.s32 s9, s26  }
0x10: {  	v6 =	vimm.s32 $0xFFFFFFF1;
	vm1 =	vcmask $0x3B00;
	v4 =	vmul.u32 $0xFFFFFFFF, v4;
	s14 =	sshll.u32 s28, $0x4;
	s15 =	sshll.u32 s28, $0xB;
	s6 =	sadd.s32 s7, s29  }
0x11: {  	v0 =	vmov s11;
	s10 =	sadd.s32 $0x2000, s10;
	v1 =	vmov s12;
	s11 =	sadd.s32 s16, s31;
	s12 =	simm.s32 $0x4;
	v5 =	vcombine.low v3, v2  }
0x12: {  	vm0 =	vmmov $0xffff;
	v6 =	vsel vm1, $0xFFFFD8F1, v6;
	v7 =	vadd.s32 $0xF, v4;
	s16 =	simm.s32 $0x1100;
	s7 =	sadd.s32 $0x1000, s6;
	s8 =	sadd.s32 $0x2000, s6  }
0x13: {  	s9 =	smax.u32 s9, $0x1;
	v2 =	vmov s14;
	v3 =	vmov s15;
	s14 =	simm.s32 $0x100;
	s15 =	simm.s32 $0x900;
	v5 =	vand.u32 $0xF, v5  }
.LBB2_1:
0x14: {  	[tilespmem:s4], [sflag:$0x4] =	stream.linear.gather [hbm4b:s5+s4], $0x10, $0x38;
	[tilespmem:$0x19100] =	vst v63  }
0x15: {  	_ =	swait.ge [sflag:s12], $0x10  }
0x16: {  	[sflag:s12] =	ssyncset.done $0x0  }
0x17: {  	[sflag:s12] =	ssyncadd.s32 $0xFFFFFFF0  }
0x18: {  	[tilespmem:s13], [sflag:$0x4] =	stream.linear.gather [hbm4b:s5+s4], $0x10, $0x38;
	[tilespmem:$0x19100] =	vst v63  }
0x19: {  	_ =	swait.ge [sflag:s12], $0x10  }
0x1a: {  	[sflag:s12] =	ssyncset.done $0x0  }
0x1b: {  	[sflag:s12] =	ssyncadd.s32 $0xFFFFFFF0  }
0x1c: {  	v9 =	vld [tilespmem:$0x0]  }
0x1d: {  	v10 =	vld.idx.msk [tilespmem:v5+s4+$0x0], $0xffff  }
0x1e: {  	v8 =	vld [tilespmem:$0x80]  }
0x1f: {  	v11 =	vld.idx.msk [tilespmem:v5+s13+$0x0], $0xffff;
	_ =	sdelay $0x2  }
0x20: {  	vm1 =	veq.s32 v9, v10  }
0x21: {  	v10 =	vsel vm1, v6, v4  }
0x22: {  	vm1 =	veq.s32 v8, v11;
	v10 =	vperm.xlane v10, v7  }
0x23: {  	v11 =	vsel vm1, v6, v4  }
0x24: {  	v11 =	vperm.xlane v11, v7;
	v10 =	vxor.u32 $0x80000000, v10  }
0x25: {  	(xrf0) =	vmax.scan.msk.u32 $0xffff, v10  }
0x26: {  	v10 =	vxor.u32 $0x80000000, v11  }
0x27: {  	(xrf0) =	vmax.scan.msk.u32 $0xffff, v10;
	_ =	sdelay $0x3  }
0x28: {  	v10, _, _ =	vpop (xrf0)  }
0x29: {  	v10 =	vxor.u32 $0x80000000, v10  }
0x2a: {  	v11, _, _ =	vpop (xrf0);
	v10 =	vperm.xlane v10, v7  }
0x2b: {  	v11 =	vxor.u32 $0x80000000, v11  }
0x2c: {  	v11 =	vperm.xlane v11, v7;
	v10 =	vsub.s32 v0, v10  }
0x2d: {  	s25 =	simm.s32 $0x0  }
0x2e: {  	s23 =	smul.u32 $0xAB, s25;
	v11 =	vsub.s32 v2, v11;
	_ =	sdelay $0x1  }
0x2f: {  	s23 =	sshrl.u32 s23, $0x9  }
0x30: {  	[tilespmem:s14], [sflag:$0x3] =	stream.indirect_vreg.gather [hbm4b:s1+s4], $0x80, v10, vm0, $0xb8;
	[tilespmem:$0x19100] =	vst v63  }
0x31: {  	s23 =	sand.u32 $0x7F, s23  }
0x32: {  	[tilespmem:s15], [sflag:$0x3] =	stream.indirect_vreg.gather [hbm4b:s1+s4], $0x80, v11, vm0, $0xb8;
	[tilespmem:$0x19100] =	vst v63  }
0x33: {  	s23 =	smul.u32 $0x3, s23  }
0x34: {  	[tilespmem:s16], [sflag:$0x1] =	stream.linear.gather [hbm4b:s6+s4], $0x8000, $0x38;
	[tilespmem:$0x19100] =	vst v63  }
0x35: {  	s24 =	simm.s32 $0xFFFFFFFF;
	p0 =	por $0x1, $0x1;
	s23 =	ssub.s32 $0x0, s23  }
0x36: {  	[tilespmem:s17], [sflag:$0x1] =	stream.linear.gather [hbm4b:s7+s4], $0x8000, $0x38;
	[tilespmem:$0x19100] =	vst v63  }
0x37: {  	s26 =	smov.u32 s11;
	s29 =	smul.u32 @!p0 $0xAB, s24;
	s23 =	sand.u32 $0xFF, s23  }
0x38: {  	[tilespmem:s18], [sflag:$0x1] =	stream.linear.gather [hbm4b:s8+s4], $0x8000, $0x38;
	[tilespmem:$0x19100] =	vst v63  }
0x39: {  	s28 =	sshll.u32 s23, $0xF;
	s23 =	smov.u32 s10;
	_ =	swait.ge [sflag:s19], $0x8000  }
.LBB2_2:
0x3a: {  	[sflag:s19] =	ssyncset.done $0x0  }
0x3b: {  	s28 =	sor.u32 $0x1100, s28;
	s30 =	smov.u32 s25;
	s25 =	sadd.s32 $0x1, s25  }
0x3c: {  	s31 =	smul.u32 $0xAB, s25;
	[sflag:s19] =	ssyncadd.s32 $0xFFFF8000;
	s29 =	sshrl.u32 @!p0 s29, $0x9  }
0x3d: {  	[hbm4b:s26+s4] =	stream.linear.scatter [tilespmem:s28], [sflag:$0x2], $0x8000, $0x38;
	[tilespmem:$0x19100] =	vst v63  }
0x3e: {  	s29 =	sand.u32 @!p0 $0x7F, s29;
	s28 =	sshrl.u32 s31, $0x9;
	s31 =	simm.s32 @!p0 $0x2  }
0x3f: {  	s29 =	smul.u32 @!p0 $0x3, s29;
	s28 =	sand.u32 $0x7F, s28;
	_ =	swait.ge @!p0 [sflag:s31], $0x8000  }
0x40: {  	p1 =	sne.s32 s25, $0xF;
	s28 =	smul.u32 $0x3, s28;
	[sflag:s31] =	ssyncset.done @!p0 $0x0  }
0x41: {  	s29 =	ssub.s32 @!p0 s24, s29;
	s24 =	smov.u32 s30;
	[sflag:s31] =	ssyncadd.s32 @!p0 $0xFFFF8000  }
0x42: {  	s30 =	simm.s32 @!p0 $0x0;
	s29 =	sand.u32 @!p0 $0xFF, s29;
	s28 =	ssub.s32 s25, s28  }
.Ltmp0:
0x43: {  	s29 =	sshll.u32 @!p0 s29, $0xF;
	s28 =	sand.u32 $0xFF, s28;
	(pc) =	sbr.rel @p1 .LBB2_2-.Ltmp0, $4  }
0x44: {  	s26 =	sadd.s32 $0x1000, s26;
	s29 =	sor.u32 @!p0 $0x1100, s29;
	s28 =	sshll.u32 s28, $0xF  }
0x45: {  	[tilespmem:s29], [sflag:$0x1] =	stream.linear.gather @!p0 [hbm4b:s23+s30], $0x8000, $0x38;
	[tilespmem:$0x19100] =	vst v63  }
0x46: {  	p0 =	sgt.u32 s24, $0xC  }
0x47: {  	s23 =	sadd.s32 $0x1000, s23;
	s29 =	smul.u32 @!p0 $0xAB, s24;
	_ =	swait.ge [sflag:s19], $0x8000  }
0x48: {  	_ = 	snop  }
0x49: {  	s25 =	sshrl.u32 @!p0 s29, $0x9  }
0x4a: {  	[sflag:s19] =	ssyncset.done $0x0;
	s25 =	sand.u32 @!p0 $0x7F, s25  }
0x4b: {  	s28 =	sor.u32 $0x1100, s28;
	[sflag:s19] =	ssyncadd.s32 $0xFFFF8000;
	s25 =	smul.u32 @!p0 $0x3, s25  }
0x4c: {  	[hbm4b:s26+s4] =	stream.linear.scatter [tilespmem:s28], [sflag:$0x2], $0x8000, $0x38;
	[tilespmem:$0x19100] =	vst v63  }
0x4d: {  	s26 =	simm.s32 @!p0 $0x2;
	s24 =	ssub.s32 @!p0 s24, s25  }
0x4e: {  	_ =	swait.ge @!p0 [sflag:s26], $0x8000;
	s24 =	sand.u32 @!p0 $0xFF, s24  }
0x4f: {  	[sflag:s26] =	ssyncset.done @!p0 $0x0;
	s24 =	sshll.u32 @!p0 s24, $0xF  }
0x50: {  	[sflag:s26] =	ssyncadd.s32 @!p0 $0xFFFF8000;
	s25 =	simm.s32 @!p0 $0x0;
	s24 =	sor.u32 @!p0 $0x1100, s24  }
0x51: {  	[tilespmem:s24], [sflag:$0x1] =	stream.linear.gather @!p0 [hbm4b:s23+s25], $0x8000, $0x38;
	[tilespmem:$0x19100] =	vst v63  }
0x52: {  	_ =	swait.ge [sflag:s20], $0x8000  }
0x53: {  	[sflag:s20] =	ssyncset.done $0x0  }
0x54: {  	[sflag:s20] =	ssyncadd.s32 $0xFFFF8000  }
0x55: {  	_ =	swait.ge [sflag:s20], $0x8000  }
0x56: {  	[sflag:s20] =	ssyncset.done $0x0  }
0x57: {  	[sflag:s20] =	ssyncadd.s32 $0xFFFF8000  }
0x58: {  	_ =	swait.ge [sflag:s20], $0x8000  }
0x59: {  	[sflag:s20] =	ssyncset.done $0x0  }
0x5a: {  	[sflag:s20] =	ssyncadd.s32 $0xFFFF8000  }
0x5b: {  	_ =	swait.ge [sflag:s21], $0x800  }
0x5c: {  	v9 =	vadd.s32 v1, v9;
	[sflag:s21] =	ssyncset.done $0x0  }
0x5d: {  	[sflag:s21] =	ssyncadd.s32 $0xFFFFF800  }
0x5e: {  	v8 =	vadd.s32 v3, v8;
	_ =	swait.ge [sflag:s21], $0x800  }
0x5f: {  	[sflag:s21] =	ssyncset.done $0x0  }
0x60: {  	[sflag:s21] =	ssyncadd.s32 $0xFFFFF800  }
0x61: {  	[hbm4b:s2+s4] =	stream.indirect_vreg.scatter [tilespmem:s14], [sflag:$0x3], $0x80, v9, vm0, $0xb8;
	[tilespmem:$0x19100] =	vst v63  }
0x62: {  	s22 =	sadd.s32 $0x1, s22  }
0x63: {  	[hbm4b:s2+s4] =	stream.indirect_vreg.scatter [tilespmem:s15], [sflag:$0x3], $0x80, v8, vm0, $0xb8;
	[tilespmem:$0x19100] =	vst v63  }
0x64: {  	p0 =	sne.s32 s22, s9;
	_ =	swait.ge [sflag:s21], $0x800  }
.Ltmp1:
0x65: {  	[sflag:s21] =	ssyncset.done $0x0;
	(pc) =	sbr.rel @p0 .LBB2_1-.Ltmp1, $4  }
0x66: {  	[sflag:s21] =	ssyncadd.s32 $0xFFFFF800  }
0x67: {  	_ =	swait.ge [sflag:s21], $0x800  }
0x68: {  	[sflag:s21] =	ssyncset.done $0x0  }
0x69: {  	[sflag:s21] =	ssyncadd.s32 $0xFFFFF800  }
0x6a: {  	_ =	sfence.sel $0x180000  }
0x6b: {  	[bflag:$0x0] =	sbarrier.arrive $0xFFFF  }
0x6c: {  	p0 =	sne.s32 s3, $0x0;
	_ =	strace $0x90000047  }
0x6d: {  	s0 =	sadd.s32 @!p0 $0x100000, s0;
	[bflag:$0x2] =	sbarrier.arrive $0xFFFF  }
0x6e: {  	[sflag:s0] =	ssyncadd.tile.s32 @!p0 $0x1;
	_ =	shalt  }
.Lfunc_end2:
_tile_overlayer_lowered:
.L_overlay_start_2:
0x6f: {  	(tag) =	ssettag $0x2  }
0x70: {  	s0 =	rddreg [dreg:$0x0];
	s2 =	stileid.u32  }
0x71: {  	s1 =	rddreg [dreg:$0x1];
	p0 =	sne.s32 s2, $0x0  }
0x72: {  	s3 =	rddreg [dreg:$0x2];
	[bflag:$0x3] =	sbarrier.arrive $0xFFFF;
	s2 =	simm.s32 @!p0 $0x1C04  }
0x73: {  	[timem:s3], [sflag:s2] =	dma.local @!p0 [hbm:s0], s1  }
0x74: {  	s0 =	simm.s32 @!p0 $0x4  }
0x75: {  	_ =	swait.ge @!p0 [sflag:s0], s1  }
0x76: {  	s1 =	ssub.s32 @!p0 $0x0, s1;
	[sflag:s0] =	ssyncset.done @!p0 $0x0  }
0x77: {  	[sflag:s0] =	ssyncadd.s32 @!p0 s1  }
0x78: {  	[bflag:$0x3] =	sbarrier.arrive $0xFFFF  }
0x79: {  	_ =	shalt  }

</sc_bundles>
